<compile_context>
chip_gen: v7x
topology: tpu7x:2x2x1
jax: 0.10.2.dev20260603
libtpu: 0.0.44.dev20260713+nightly
codegen_flags: <defaults>
</compile_context>

<pallas_src>
import functools

import jax
import jax.numpy as jnp
from jax import lax
from jax.experimental import pallas as pl
from jax.experimental.pallas import tpu as pltpu
from jax.experimental.pallas import tpu_sc as plsc

_OUT_DIM = 2048
_DPC = 16
_BATCH = 128
_N = _OUT_DIM * _DPC

_NC = 2
_NS = 16
_NW = _NC * _NS
_ROWS_PER_W = _BATCH // _NW

_QPR = 2
_GCHUNK = _OUT_DIM // _QPR
_OUT_LEN = _GCHUNK * _DPC
_IN_LEN = _GCHUNK * (_QPR - 1) + _OUT_LEN
_GBLK = 16
_NBLK = _GCHUNK // _GBLK
_NCHUNK = _ROWS_PER_W * _QPR


def _dk_body(x_hbm, out_hbm, in0, in1, o0, o1, si0, si1, so0, so1):
    wid = lax.axis_index("s") * _NC + lax.axis_index("c")
    row0 = wid * _ROWS_PER_W
    lane = lax.iota(jnp.int32, 16)
    lane15 = lane * 15
    lane16 = lane * 16
    zeros16 = jnp.zeros((16,), jnp.float32)
    in_bufs = (in0, in1)
    out_bufs = (o0, o1)
    in_sems = (si0, si1)
    out_sems = (so0, so1)

    def chunk_coords(c):
        row = row0 + c // _QPR
        g0 = (c % _QPR) * _GCHUNK
        return row, g0

    def issue_in(c, b):
        row, g0 = chunk_coords(c)
        pltpu.async_copy(
            x_hbm.at[row, pl.ds(g0 * 15, _IN_LEN)], in_bufs[b], in_sems[b])

    def wait_in(b):
        pltpu.make_async_copy(
            x_hbm.at[0, pl.ds(0, _IN_LEN)], in_bufs[b], in_sems[b]).wait()

    def issue_out(c, b):
        row, g0 = chunk_coords(c)
        pltpu.async_copy(
            out_bufs[b], out_hbm.at[row, pl.ds(g0 * _DPC, _OUT_LEN)],
            out_sems[b])

    def wait_out(b):
        pltpu.make_async_copy(
            out_bufs[b], out_hbm.at[0, pl.ds(0, _OUT_LEN)], out_sems[b]).wait()

    def compute(c, b):
        in_v = in_bufs[b]
        out_v = out_bufs[b]
        _, g0 = chunk_coords(c)

        @plsc.parallel_loop(0, _NBLK, unroll=1)
        def blk_body(blk):
            k0 = blk * _GBLK
            wbase = k0 * 15 + lane15
            vals = [plsc.load_gather(in_v, [wbase + j]) for j in range(_DPC)]
            idxs = [jnp.full((16,), j, jnp.int32) for j in range(_DPC)]
            n = _DPC
            while n > 1:
                half = n // 2
                for i in range(half):
                    v1, v2 = vals[2 * i], vals[2 * i + 1]
                    cond = v2 > v1
                    vals[i] = jnp.where(cond, v2, v1)
                    idxs[i] = jnp.where(cond, idxs[2 * i + 1], idxs[2 * i])
                n = half
            argj = idxs[0]
            for i in range(_GBLK):
                out_v[pl.ds((k0 + i) * _DPC, 16)] = zeros16
            out_loc = k0 * 16 + lane16 + argj
            vout = plsc.load_gather(in_v, [out_loc + g0])
            plsc.store_scatter(out_v, [out_loc], vout)

    issue_in(0, 0)
    issue_in(1, 1)

    def step(cc, _):
        for bb in range(2):
            c = cc + bb
            b = bb
            wait_in(b)
            @pl.when(c >= 2)
            def _():
                wait_out(b)
            compute(c, b)
            issue_out(c, b)
            @pl.when(c + 2 < _NCHUNK)
            def _():
                issue_in(c + 2, b)
        return ()

    lax.fori_loop(0, _NCHUNK // 2, lambda i, _: step(i * 2, ()), ())
    wait_out(0)
    wait_out(1)


@jax.jit
def kernel(x):
    mesh = plsc.VectorSubcoreMesh(core_axis_name="c", subcore_axis_name="s")
    f = functools.partial(
        pl.kernel,
        out_type=jax.ShapeDtypeStruct((_BATCH, _N), jnp.float32),
        mesh=mesh,
        scratch_types=[
            pltpu.VMEM((_IN_LEN,), jnp.float32),
            pltpu.VMEM((_IN_LEN,), jnp.float32),
            pltpu.VMEM((_OUT_LEN,), jnp.float32),
            pltpu.VMEM((_OUT_LEN,), jnp.float32),
            pltpu.SemaphoreType.DMA,
            pltpu.SemaphoreType.DMA,
            pltpu.SemaphoreType.DMA,
            pltpu.SemaphoreType.DMA,
        ],
        compiler_params=pltpu.CompilerParams(needs_layout_passes=False),
    )(_dk_body)
    return f(x)

# --- scband reference (transcript-rebuilt; emitter-appended) ---
"""Pipeline reference for scband-dkwinners-80109730005713 (READ-ONLY COPY).

The authoritative reference and input builder live on the scoring server;
editing this copy changes nothing except your own understanding.
"""

import jax, jax.numpy as jnp
import numpy as np

OUT_DIM = 2048
DPC = 16
BATCH = 128


def setup_inputs(seed: int = 0) -> dict:
    key = jax.random.key(seed)
    x = jax.random.normal(key, (BATCH, OUT_DIM * DPC), dtype=jnp.float32)
    return {"x": x}


def _forward(x):
    B = x.shape[0]
    # slice start for group k is k*(dpc-1), width dpc (faithful to original indexing)
    starts = jnp.arange(OUT_DIM) * (DPC - 1)
    idx = starts[:, None] + jnp.arange(DPC)[None, :]  # [OUT_DIM, DPC]
    boosted = jax.lax.stop_gradient(x)  # original uses x.detach() for winner selection
    groups = jnp.take(boosted, idx, axis=1)  # gather -> [B, OUT_DIM, DPC]
    ind = jnp.argmax(groups, axis=2)  # [B, OUT_DIM]
    mask = jax.nn.one_hot(ind, DPC, dtype=x.dtype)  # [B, OUT_DIM, DPC]
    mask = mask.reshape(B, OUT_DIM * DPC)
    return mask * x


def reference(x):
    return _forward(x)

if __name__ == "__main__":
    import jax
    _d = setup_inputs()
    print(jax.jit(kernel)(*tuple(_d.values())))

</pallas_src>

<mosaic_0001>
#map = affine_map<(d0, d1) -> (0, 0)>
module attributes {stable_mosaic.version = 14 : i64} {
  func.func @_dk_body(%arg0: i32, %arg1: i32, %arg2: memref<128x32768xf32, #tpu.memory_space<hbm>>, %arg3: memref<128x32768xf32, #tpu.memory_space<hbm>>, %arg4: memref<17408xf32, #tpu.memory_space<vmem>>, %arg5: memref<17408xf32, #tpu.memory_space<vmem>>, %arg6: memref<16384xf32, #tpu.memory_space<vmem>>, %arg7: memref<16384xf32, #tpu.memory_space<vmem>>, %arg8: memref<!tpu.dma_semaphore, #tpu.memory_space<semaphore_mem>>, %arg9: memref<!tpu.dma_semaphore, #tpu.memory_space<semaphore_mem>>, %arg10: memref<!tpu.dma_semaphore, #tpu.memory_space<semaphore_mem>>, %arg11: memref<!tpu.dma_semaphore, #tpu.memory_space<semaphore_mem>>) attributes {dimension_semantics = [#tpu.dimension_semantics<core_parallel>, #tpu.dimension_semantics<subcore_parallel>], iteration_bounds = array<i64: 2, 16>, scalar_prefetch = 0 : i64, scratch_operands = 8 : i64, tpu.core_type = #tpu.core_type<sc_vector_subcore>, window_params = [{transform_indices = #map}, {transform_indices = #map}]} {
    %mul3A = arith.constant 2 : i32
    %mul3A_0 = arith.muli %arg1, %mul3A : i32
    %add3A = arith.addi %mul3A_0, %arg0 : i32
    %mul3A_1 = arith.constant 4 : i32
    %mul3A_2 = arith.muli %add3A, %mul3A_1 : i32
    %iota3A = tpu.iota {dimensions = array<i32: 0>} : vector<16xi32>
    %mul3A_3 = arith.constant 15 : i32
    %mul3A_4 = vector.broadcast %mul3A_3 : i32 to vector<16xi32>
    %mul3A_5 = arith.muli %iota3A, %mul3A_4 : vector<16xi32>
    %mul3A_6 = arith.constant 16 : i32
    %mul3A_7 = vector.broadcast %mul3A_6 : i32 to vector<16xi32>
    %mul3A_8 = arith.muli %iota3A, %mul3A_7 : vector<16xi32>
    %broadcast_in_dim3A = arith.constant 0.000000e+00 : f32
    %broadcast_in_dim3A_9 = vector.broadcast %broadcast_in_dim3A : f32 to vector<16xf32>
    %add3A_10 = arith.constant 0 : i32
    %add3A_11 = arith.addi %mul3A_2, %add3A_10 : i32
    %dma_start3A = arith.constant 0 : i32
    %dma_start3A_12 = tpu.memref_slice %arg2[%add3A_11, %dma_start3A] : memref<128x32768xf32, #tpu.memory_space<hbm>> -> memref<1x17408xf32, #tpu.memory_space<hbm>>
    %dma_start3A_13 = tpu.memref_squeeze %dma_start3A_12 : memref<1x17408xf32, #tpu.memory_space<hbm>> -> memref<17408xf32, #tpu.memory_space<hbm>>
    %dma_start3A_14 = arith.constant 0 : i32
    %dma_start3A_15 = tpu.memref_slice %arg2[%add3A_11, %dma_start3A_14] : memref<128x32768xf32, #tpu.memory_space<hbm>> -> memref<1x17408xf32, #tpu.memory_space<hbm>>
    %dma_start3A_16 = tpu.memref_squeeze %dma_start3A_15 : memref<1x17408xf32, #tpu.memory_space<hbm>> -> memref<17408xf32, #tpu.memory_space<hbm>>
    tpu.enqueue_dma source(%dma_start3A_16 : memref<17408xf32, #tpu.memory_space<hbm>>) target(%arg4 : memref<17408xf32, #tpu.memory_space<vmem>>) target_semaphore(%arg8 : memref<!tpu.dma_semaphore, #tpu.memory_space<semaphore_mem>>)
    %add3A_17 = arith.constant 0 : i32
    %add3A_18 = arith.addi %mul3A_2, %add3A_17 : i32
    %dma_start3A_19 = arith.constant 15360 : i32
    %dma_start3A_20 = tpu.memref_slice %arg2[%add3A_18, %dma_start3A_19] : memref<128x32768xf32, #tpu.memory_space<hbm>> -> memref<1x17408xf32, #tpu.memory_space<hbm>>
    %dma_start3A_21 = tpu.memref_squeeze %dma_start3A_20 : memref<1x17408xf32, #tpu.memory_space<hbm>> -> memref<17408xf32, #tpu.memory_space<hbm>>
    %dma_start3A_22 = arith.constant 15360 : i32
    %dma_start3A_23 = tpu.memref_slice %arg2[%add3A_18, %dma_start3A_22] : memref<128x32768xf32, #tpu.memory_space<hbm>> -> memref<1x17408xf32, #tpu.memory_space<hbm>>
    %dma_start3A_24 = tpu.memref_squeeze %dma_start3A_23 : memref<1x17408xf32, #tpu.memory_space<hbm>> -> memref<17408xf32, #tpu.memory_space<hbm>>
    tpu.enqueue_dma source(%dma_start3A_24 : memref<17408xf32, #tpu.memory_space<hbm>>) target(%arg5 : memref<17408xf32, #tpu.memory_space<vmem>>) target_semaphore(%arg9 : memref<!tpu.dma_semaphore, #tpu.memory_space<semaphore_mem>>)
    %scan3A = arith.constant 0 : i32
    %scan3A_25 = arith.constant 4 : i32
    %scan3A_26 = arith.addi %scan3A, %scan3A_25 : i32
    %scan3A_27 = arith.constant 1 : i32
    scf.for %scan3A_42 = %scan3A to %scan3A_26 step %scan3A_27  : i32 {
      %mul3A_43 = arith.constant 2 : i32
      %mul3A_44 = arith.muli %scan3A_42, %mul3A_43 : i32
      %add3A_45 = arith.constant 0 : i32
      %add3A_46 = arith.addi %mul3A_44, %add3A_45 : i32
      %dma_wait3A_47 = arith.constant 0 : i32
      %dma_wait3A_48 = arith.constant 0 : i32
      %dma_wait3A_49 = tpu.memref_slice %arg2[%dma_wait3A_47, %dma_wait3A_48] : memref<128x32768xf32, #tpu.memory_space<hbm>> -> memref<1x17408xf32, #tpu.memory_space<hbm>>
      %dma_wait3A_50 = tpu.memref_squeeze %dma_wait3A_49 : memref<1x17408xf32, #tpu.memory_space<hbm>> -> memref<17408xf32, #tpu.memory_space<hbm>>
      %dma_wait3A_51 = arith.constant 0 : i32
      %dma_wait3A_52 = tpu.memref_slice %arg2[%dma_wait3A_47, %dma_wait3A_51] : memref<128x32768xf32, #tpu.memory_space<hbm>> -> memref<1x17408xf32, #tpu.memory_space<hbm>>
      %dma_wait3A_53 = tpu.memref_squeeze %dma_wait3A_52 : memref<1x17408xf32, #tpu.memory_space<hbm>> -> memref<17408xf32, #tpu.memory_space<hbm>>
      tpu.wait_dma2 semaphore(%arg8 : memref<!tpu.dma_semaphore, #tpu.memory_space<semaphore_mem>>) src(%dma_wait3A_53 : memref<17408xf32, #tpu.memory_space<hbm>>) dst(%arg4 : memref<17408xf32, #tpu.memory_space<vmem>>)
      %ge3A = arith.constant 2 : i32
      %ge3A_54 = arith.cmpi sge, %add3A_46, %ge3A : i32
      %convert_element_type3A = arith.extui %ge3A_54 : i1 to i32
      %cond3A = arith.constant 0 : i32
      %cond3A_55 = arith.cmpi ne, %convert_element_type3A, %cond3A : i32
      scf.if %cond3A_55 {
        %dma_wait3A_263 = arith.constant 0 : i32
        %dma_wait3A_264 = arith.constant 0 : i32
        %dma_wait3A_265 = tpu.memref_slice %arg3[%dma_wait3A_263, %dma_wait3A_264] : memref<128x32768xf32, #tpu.memory_space<hbm>> -> memref<1x16384xf32, #tpu.memory_space<hbm>>
        %dma_wait3A_266 = tpu.memref_squeeze %dma_wait3A_265 : memref<1x16384xf32, #tpu.memory_space<hbm>> -> memref<16384xf32, #tpu.memory_space<hbm>>
        %dma_wait3A_267 = arith.constant 0 : i32
        %dma_wait3A_268 = tpu.memref_slice %arg3[%dma_wait3A_263, %dma_wait3A_267] : memref<128x32768xf32, #tpu.memory_space<hbm>> -> memref<1x16384xf32, #tpu.memory_space<hbm>>
        %dma_wait3A_269 = tpu.memref_squeeze %dma_wait3A_268 : memref<1x16384xf32, #tpu.memory_space<hbm>> -> memref<16384xf32, #tpu.memory_space<hbm>>
        tpu.wait_dma2 semaphore(%arg10 : memref<!tpu.dma_semaphore, #tpu.memory_space<semaphore_mem>>) src(%arg6 : memref<16384xf32, #tpu.memory_space<vmem>>) dst(%dma_wait3A_269 : memref<16384xf32, #tpu.memory_space<hbm>>)
      } else {
      }
      %jit3A = arith.constant 2 : i32
      %div3A = arith.divsi %add3A_46, %jit3A : i32
      %sign3A = arith.constant 0 : i32
      %sign3A_56 = arith.cmpi sgt, %add3A_46, %sign3A : i32
      %sign3A_57 = arith.extui %sign3A_56 : i1 to i32
      %sign3A_58 = arith.constant 0 : i32
      %sign3A_59 = arith.cmpi slt, %add3A_46, %sign3A_58 : i32
      %sign3A_60 = arith.extui %sign3A_59 : i1 to i32
      %sign3A_61 = arith.subi %sign3A_57, %sign3A_60 : i32
      %sign3A_62 = arith.constant 0 : i32
      %sign3A_63 = arith.cmpi sgt, %jit3A, %sign3A_62 : i32
      %sign3A_64 = arith.extui %sign3A_63 : i1 to i32
      %sign3A_65 = arith.constant 0 : i32
      %sign3A_66 = arith.cmpi slt, %jit3A, %sign3A_65 : i32
      %sign3A_67 = arith.extui %sign3A_66 : i1 to i32
      %sign3A_68 = arith.subi %sign3A_64, %sign3A_67 : i32
      %ne3A = arith.cmpi ne, %sign3A_61, %sign3A_68 : i32
      %rem3A = arith.remsi %add3A_46, %jit3A : i32
      %ne3A_69 = arith.constant 0 : i32
      %ne3A_70 = arith.cmpi ne, %rem3A, %ne3A_69 : i32
      %and3A = arith.andi %ne3A, %ne3A_70 : i1
      %sub3A = arith.constant 1 : i32
      %sub3A_71 = arith.subi %div3A, %sub3A : i32
      %select_n3A = arith.select %and3A, %sub3A_71, %div3A : i32
      %add3A_72 = arith.addi %mul3A_2, %select_n3A : i32
      %jit3A_73 = arith.constant 2 : i32
      %eq3A = arith.constant 0 : i32
      %eq3A_74 = arith.cmpi eq, %jit3A_73, %eq3A : i32
      %jit3A_75 = arith.constant 1 : i32
      %select_n3A_76 = arith.select %eq3A_74, %jit3A_75, %jit3A_73 : i32
      %rem3A_77 = arith.remsi %add3A_46, %select_n3A_76 : i32
      %ne3A_78 = arith.constant 0 : i32
      %ne3A_79 = arith.cmpi ne, %rem3A_77, %ne3A_78 : i32
      %lt3A = arith.constant 0 : i32
      %lt3A_80 = arith.cmpi slt, %rem3A_77, %lt3A : i32
      %lt3A_81 = arith.constant 0 : i32
      %lt3A_82 = arith.cmpi slt, %select_n3A_76, %lt3A_81 : i32
      %ne3A_83 = arith.xori %lt3A_80, %lt3A_82 : i1
      %and3A_84 = arith.andi %ne3A_83, %ne3A_79 : i1
      %add3A_85 = arith.addi %rem3A_77, %select_n3A_76 : i32
      %select_n3A_86 = arith.select %and3A_84, %add3A_85, %rem3A_77 : i32
      %mul3A_87 = arith.constant 1024 : i32
      %mul3A_88 = arith.muli %select_n3A_86, %mul3A_87 : i32
      %parallel_loop3A = arith.constant 0 : i32
      %parallel_loop3A_89 = arith.constant 64 : i32
      %parallel_loop3A_90 = arith.constant 1 : i32
      scf.for %parallel_loop3A_263 = %parallel_loop3A to %parallel_loop3A_89 step %parallel_loop3A_90  : i32 {
        %parallel_loop3A_264 = arith.constant 16 : i32
        %parallel_loop3A_265 = arith.muli %parallel_loop3A_263, %parallel_loop3A_264 : i32
        %parallel_loop3A_266 = arith.constant 15 : i32
        %parallel_loop3A_267 = arith.muli %parallel_loop3A_265, %parallel_loop3A_266 : i32
        %parallel_loop3A_268 = vector.broadcast %parallel_loop3A_267 : i32 to vector<16xi32>
        %parallel_loop3A_269 = arith.addi %parallel_loop3A_268, %mul3A_5 : vector<16xi32>
        %parallel_loop3A_270 = arith.constant 0 : i32
        %parallel_loop3A_271 = vector.broadcast %parallel_loop3A_270 : i32 to vector<16xi32>
        %parallel_loop3A_272 = arith.addi %parallel_loop3A_269, %parallel_loop3A_271 : vector<16xi32>
        %parallel_loop3A_273 = tpu.vector_load_idx %arg4[%parallel_loop3A_272] : memref<17408xf32, #tpu.memory_space<vmem>>[vector<16xi32>], vector<16xf32>,
        %parallel_loop3A_274 = arith.constant 1 : i32
        %parallel_loop3A_275 = vector.broadcast %parallel_loop3A_274 : i32 to vector<16xi32>
        %parallel_loop3A_276 = arith.addi %parallel_loop3A_269, %parallel_loop3A_275 : vector<16xi32>
        %parallel_loop3A_277 = tpu.vector_load_idx %arg4[%parallel_loop3A_276] : memref<17408xf32, #tpu.memory_space<vmem>>[vector<16xi32>], vector<16xf32>,
        %parallel_loop3A_278 = arith.constant 2 : i32
        %parallel_loop3A_279 = vector.broadcast %parallel_loop3A_278 : i32 to vector<16xi32>
        %parallel_loop3A_280 = arith.addi %parallel_loop3A_269, %parallel_loop3A_279 : vector<16xi32>
        %parallel_loop3A_281 = tpu.vector_load_idx %arg4[%parallel_loop3A_280] : memref<17408xf32, #tpu.memory_space<vmem>>[vector<16xi32>], vector<16xf32>,
        %parallel_loop3A_282 = arith.constant 3 : i32
        %parallel_loop3A_283 = vector.broadcast %parallel_loop3A_282 : i32 to vector<16xi32>
        %parallel_loop3A_284 = arith.addi %parallel_loop3A_269, %parallel_loop3A_283 : vector<16xi32>
        %parallel_loop3A_285 = tpu.vector_load_idx %arg4[%parallel_loop3A_284] : memref<17408xf32, #tpu.memory_space<vmem>>[vector<16xi32>], vector<16xf32>,
        %parallel_loop3A_286 = arith.constant 4 : i32
        %parallel_loop3A_287 = vector.broadcast %parallel_loop3A_286 : i32 to vector<16xi32>
        %parallel_loop3A_288 = arith.addi %parallel_loop3A_269, %parallel_loop3A_287 : vector<16xi32>
        %parallel_loop3A_289 = tpu.vector_load_idx %arg4[%parallel_loop3A_288] : memref<17408xf32, #tpu.memory_space<vmem>>[vector<16xi32>], vector<16xf32>,
        %parallel_loop3A_290 = arith.constant 5 : i32
        %parallel_loop3A_291 = vector.broadcast %parallel_loop3A_290 : i32 to vector<16xi32>
        %parallel_loop3A_292 = arith.addi %parallel_loop3A_269, %parallel_loop3A_291 : vector<16xi32>
        %parallel_loop3A_293 = tpu.vector_load_idx %arg4[%parallel_loop3A_292] : memref<17408xf32, #tpu.memory_space<vmem>>[vector<16xi32>], vector<16xf32>,
        %parallel_loop3A_294 = arith.constant 6 : i32
        %parallel_loop3A_295 = vector.broadcast %parallel_loop3A_294 : i32 to vector<16xi32>
        %parallel_loop3A_296 = arith.addi %parallel_loop3A_269, %parallel_loop3A_295 : vector<16xi32>
        %parallel_loop3A_297 = tpu.vector_load_idx %arg4[%parallel_loop3A_296] : memref<17408xf32, #tpu.memory_space<vmem>>[vector<16xi32>], vector<16xf32>,
        %parallel_loop3A_298 = arith.constant 7 : i32
        %parallel_loop3A_299 = vector.broadcast %parallel_loop3A_298 : i32 to vector<16xi32>
        %parallel_loop3A_300 = arith.addi %parallel_loop3A_269, %parallel_loop3A_299 : vector<16xi32>
        %parallel_loop3A_301 = tpu.vector_load_idx %arg4[%parallel_loop3A_300] : memref<17408xf32, #tpu.memory_space<vmem>>[vector<16xi32>], vector<16xf32>,
        %parallel_loop3A_302 = arith.constant 8 : i32
        %parallel_loop3A_303 = vector.broadcast %parallel_loop3A_302 : i32 to vector<16xi32>
        %parallel_loop3A_304 = arith.addi %parallel_loop3A_269, %parallel_loop3A_303 : vector<16xi32>
        %parallel_loop3A_305 = tpu.vector_load_idx %arg4[%parallel_loop3A_304] : memref<17408xf32, #tpu.memory_space<vmem>>[vector<16xi32>], vector<16xf32>,
        %parallel_loop3A_306 = arith.constant 9 : i32
        %parallel_loop3A_307 = vector.broadcast %parallel_loop3A_306 : i32 to vector<16xi32>
        %parallel_loop3A_308 = arith.addi %parallel_loop3A_269, %parallel_loop3A_307 : vector<16xi32>
        %parallel_loop3A_309 = tpu.vector_load_idx %arg4[%parallel_loop3A_308] : memref<17408xf32, #tpu.memory_space<vmem>>[vector<16xi32>], vector<16xf32>,
        %parallel_loop3A_310 = arith.constant 10 : i32
        %parallel_loop3A_311 = vector.broadcast %parallel_loop3A_310 : i32 to vector<16xi32>
        %parallel_loop3A_312 = arith.addi %parallel_loop3A_269, %parallel_loop3A_311 : vector<16xi32>
        %parallel_loop3A_313 = tpu.vector_load_idx %arg4[%parallel_loop3A_312] : memref<17408xf32, #tpu.memory_space<vmem>>[vector<16xi32>], vector<16xf32>,
        %parallel_loop3A_314 = arith.constant 11 : i32
        %parallel_loop3A_315 = vector.broadcast %parallel_loop3A_314 : i32 to vector<16xi32>
        %parallel_loop3A_316 = arith.addi %parallel_loop3A_269, %parallel_loop3A_315 : vector<16xi32>
        %parallel_loop3A_317 = tpu.vector_load_idx %arg4[%parallel_loop3A_316] : memref<17408xf32, #tpu.memory_space<vmem>>[vector<16xi32>], vector<16xf32>,
        %parallel_loop3A_318 = arith.constant 12 : i32
        %parallel_loop3A_319 = vector.broadcast %parallel_loop3A_318 : i32 to vector<16xi32>
        %parallel_loop3A_320 = arith.addi %parallel_loop3A_269, %parallel_loop3A_319 : vector<16xi32>
        %parallel_loop3A_321 = tpu.vector_load_idx %arg4[%parallel_loop3A_320] : memref<17408xf32, #tpu.memory_space<vmem>>[vector<16xi32>], vector<16xf32>,
        %parallel_loop3A_322 = arith.constant 13 : i32
        %parallel_loop3A_323 = vector.broadcast %parallel_loop3A_322 : i32 to vector<16xi32>
        %parallel_loop3A_324 = arith.addi %parallel_loop3A_269, %parallel_loop3A_323 : vector<16xi32>
        %parallel_loop3A_325 = tpu.vector_load_idx %arg4[%parallel_loop3A_324] : memref<17408xf32, #tpu.memory_space<vmem>>[vector<16xi32>], vector<16xf32>,
        %parallel_loop3A_326 = arith.constant 14 : i32
        %parallel_loop3A_327 = vector.broadcast %parallel_loop3A_326 : i32 to vector<16xi32>
        %parallel_loop3A_328 = arith.addi %parallel_loop3A_269, %parallel_loop3A_327 : vector<16xi32>
        %parallel_loop3A_329 = tpu.vector_load_idx %arg4[%parallel_loop3A_328] : memref<17408xf32, #tpu.memory_space<vmem>>[vector<16xi32>], vector<16xf32>,
        %parallel_loop3A_330 = arith.constant 15 : i32
        %parallel_loop3A_331 = vector.broadcast %parallel_loop3A_330 : i32 to vector<16xi32>
        %parallel_loop3A_332 = arith.addi %parallel_loop3A_269, %parallel_loop3A_331 : vector<16xi32>
        %parallel_loop3A_333 = tpu.vector_load_idx %arg4[%parallel_loop3A_332] : memref<17408xf32, #tpu.memory_space<vmem>>[vector<16xi32>], vector<16xf32>,
        %parallel_loop3A_334 = arith.constant 0 : i32
        %parallel_loop3A_335 = vector.broadcast %parallel_loop3A_334 : i32 to vector<16xi32>
        %parallel_loop3A_336 = arith.constant 1 : i32
        %parallel_loop3A_337 = vector.broadcast %parallel_loop3A_336 : i32 to vector<16xi32>
        %parallel_loop3A_338 = arith.constant 2 : i32
        %parallel_loop3A_339 = vector.broadcast %parallel_loop3A_338 : i32 to vector<16xi32>
        %parallel_loop3A_340 = arith.constant 3 : i32
        %parallel_loop3A_341 = vector.broadcast %parallel_loop3A_340 : i32 to vector<16xi32>
        %parallel_loop3A_342 = arith.constant 4 : i32
        %parallel_loop3A_343 = vector.broadcast %parallel_loop3A_342 : i32 to vector<16xi32>
        %parallel_loop3A_344 = arith.constant 5 : i32
        %parallel_loop3A_345 = vector.broadcast %parallel_loop3A_344 : i32 to vector<16xi32>
        %parallel_loop3A_346 = arith.constant 6 : i32
        %parallel_loop3A_347 = vector.broadcast %parallel_loop3A_346 : i32 to vector<16xi32>
        %parallel_loop3A_348 = arith.constant 7 : i32
        %parallel_loop3A_349 = vector.broadcast %parallel_loop3A_348 : i32 to vector<16xi32>
        %parallel_loop3A_350 = arith.constant 8 : i32
        %parallel_loop3A_351 = vector.broadcast %parallel_loop3A_350 : i32 to vector<16xi32>
        %parallel_loop3A_352 = arith.constant 9 : i32
        %parallel_loop3A_353 = vector.broadcast %parallel_loop3A_352 : i32 to vector<16xi32>
        %parallel_loop3A_354 = arith.constant 10 : i32
        %parallel_loop3A_355 = vector.broadcast %parallel_loop3A_354 : i32 to vector<16xi32>
        %parallel_loop3A_356 = arith.constant 11 : i32
        %parallel_loop3A_357 = vector.broadcast %parallel_loop3A_356 : i32 to vector<16xi32>
        %parallel_loop3A_358 = arith.constant 12 : i32
        %parallel_loop3A_359 = vector.broadcast %parallel_loop3A_358 : i32 to vector<16xi32>
        %parallel_loop3A_360 = arith.constant 13 : i32
        %parallel_loop3A_361 = vector.broadcast %parallel_loop3A_360 : i32 to vector<16xi32>
        %parallel_loop3A_362 = arith.constant 14 : i32
        %parallel_loop3A_363 = vector.broadcast %parallel_loop3A_362 : i32 to vector<16xi32>
        %parallel_loop3A_364 = arith.constant 15 : i32
        %parallel_loop3A_365 = vector.broadcast %parallel_loop3A_364 : i32 to vector<16xi32>
        %parallel_loop3A_366 = arith.cmpf ogt, %parallel_loop3A_277, %parallel_loop3A_273 : vector<16xf32>
        %parallel_loop3A_367 = arith.select %parallel_loop3A_366, %parallel_loop3A_277, %parallel_loop3A_273 : vector<16xi1>, vector<16xf32>
        %parallel_loop3A_368 = arith.select %parallel_loop3A_366, %parallel_loop3A_337, %parallel_loop3A_335 : vector<16xi1>, vector<16xi32>
        %parallel_loop3A_369 = arith.cmpf ogt, %parallel_loop3A_285, %parallel_loop3A_281 : vector<16xf32>
        %parallel_loop3A_370 = arith.select %parallel_loop3A_369, %parallel_loop3A_285, %parallel_loop3A_281 : vector<16xi1>, vector<16xf32>
        %parallel_loop3A_371 = arith.select %parallel_loop3A_369, %parallel_loop3A_341, %parallel_loop3A_339 : vector<16xi1>, vector<16xi32>
        %parallel_loop3A_372 = arith.cmpf ogt, %parallel_loop3A_293, %parallel_loop3A_289 : vector<16xf32>
        %parallel_loop3A_373 = arith.select %parallel_loop3A_372, %parallel_loop3A_293, %parallel_loop3A_289 : vector<16xi1>, vector<16xf32>
        %parallel_loop3A_374 = arith.select %parallel_loop3A_372, %parallel_loop3A_345, %parallel_loop3A_343 : vector<16xi1>, vector<16xi32>
        %parallel_loop3A_375 = arith.cmpf ogt, %parallel_loop3A_301, %parallel_loop3A_297 : vector<16xf32>
        %parallel_loop3A_376 = arith.select %parallel_loop3A_375, %parallel_loop3A_301, %parallel_loop3A_297 : vector<16xi1>, vector<16xf32>
        %parallel_loop3A_377 = arith.select %parallel_loop3A_375, %parallel_loop3A_349, %parallel_loop3A_347 : vector<16xi1>, vector<16xi32>
        %parallel_loop3A_378 = arith.cmpf ogt, %parallel_loop3A_309, %parallel_loop3A_305 : vector<16xf32>
        %parallel_loop3A_379 = arith.select %parallel_loop3A_378, %parallel_loop3A_309, %parallel_loop3A_305 : vector<16xi1>, vector<16xf32>
        %parallel_loop3A_380 = arith.select %parallel_loop3A_378, %parallel_loop3A_353, %parallel_loop3A_351 : vector<16xi1>, vector<16xi32>
        %parallel_loop3A_381 = arith.cmpf ogt, %parallel_loop3A_317, %parallel_loop3A_313 : vector<16xf32>
        %parallel_loop3A_382 = arith.select %parallel_loop3A_381, %parallel_loop3A_317, %parallel_loop3A_313 : vector<16xi1>, vector<16xf32>
        %parallel_loop3A_383 = arith.select %parallel_loop3A_381, %parallel_loop3A_357, %parallel_loop3A_355 : vector<16xi1>, vector<16xi32>
        %parallel_loop3A_384 = arith.cmpf ogt, %parallel_loop3A_325, %parallel_loop3A_321 : vector<16xf32>
        %parallel_loop3A_385 = arith.select %parallel_loop3A_384, %parallel_loop3A_325, %parallel_loop3A_321 : vector<16xi1>, vector<16xf32>
        %parallel_loop3A_386 = arith.select %parallel_loop3A_384, %parallel_loop3A_361, %parallel_loop3A_359 : vector<16xi1>, vector<16xi32>
        %parallel_loop3A_387 = arith.cmpf ogt, %parallel_loop3A_333, %parallel_loop3A_329 : vector<16xf32>
        %parallel_loop3A_388 = arith.select %parallel_loop3A_387, %parallel_loop3A_333, %parallel_loop3A_329 : vector<16xi1>, vector<16xf32>
        %parallel_loop3A_389 = arith.select %parallel_loop3A_387, %parallel_loop3A_365, %parallel_loop3A_363 : vector<16xi1>, vector<16xi32>
        %parallel_loop3A_390 = arith.cmpf ogt, %parallel_loop3A_370, %parallel_loop3A_367 : vector<16xf32>
        %parallel_loop3A_391 = arith.select %parallel_loop3A_390, %parallel_loop3A_370, %parallel_loop3A_367 : vector<16xi1>, vector<16xf32>
        %parallel_loop3A_392 = arith.select %parallel_loop3A_390, %parallel_loop3A_371, %parallel_loop3A_368 : vector<16xi1>, vector<16xi32>
        %parallel_loop3A_393 = arith.cmpf ogt, %parallel_loop3A_376, %parallel_loop3A_373 : vector<16xf32>
        %parallel_loop3A_394 = arith.select %parallel_loop3A_393, %parallel_loop3A_376, %parallel_loop3A_373 : vector<16xi1>, vector<16xf32>
        %parallel_loop3A_395 = arith.select %parallel_loop3A_393, %parallel_loop3A_377, %parallel_loop3A_374 : vector<16xi1>, vector<16xi32>
        %parallel_loop3A_396 = arith.cmpf ogt, %parallel_loop3A_382, %parallel_loop3A_379 : vector<16xf32>
        %parallel_loop3A_397 = arith.select %parallel_loop3A_396, %parallel_loop3A_382, %parallel_loop3A_379 : vector<16xi1>, vector<16xf32>
        %parallel_loop3A_398 = arith.select %parallel_loop3A_396, %parallel_loop3A_383, %parallel_loop3A_380 : vector<16xi1>, vector<16xi32>
        %parallel_loop3A_399 = arith.cmpf ogt, %parallel_loop3A_388, %parallel_loop3A_385 : vector<16xf32>
        %parallel_loop3A_400 = arith.select %parallel_loop3A_399, %parallel_loop3A_388, %parallel_loop3A_385 : vector<16xi1>, vector<16xf32>
        %parallel_loop3A_401 = arith.select %parallel_loop3A_399, %parallel_loop3A_389, %parallel_loop3A_386 : vector<16xi1>, vector<16xi32>
        %parallel_loop3A_402 = arith.cmpf ogt, %parallel_loop3A_394, %parallel_loop3A_391 : vector<16xf32>
        %parallel_loop3A_403 = arith.select %parallel_loop3A_402, %parallel_loop3A_394, %parallel_loop3A_391 : vector<16xi1>, vector<16xf32>
        %parallel_loop3A_404 = arith.select %parallel_loop3A_402, %parallel_loop3A_395, %parallel_loop3A_392 : vector<16xi1>, vector<16xi32>
        %parallel_loop3A_405 = arith.cmpf ogt, %parallel_loop3A_400, %parallel_loop3A_397 : vector<16xf32>
        %parallel_loop3A_406 = arith.select %parallel_loop3A_405, %parallel_loop3A_400, %parallel_loop3A_397 : vector<16xi1>, vector<16xf32>
        %parallel_loop3A_407 = arith.select %parallel_loop3A_405, %parallel_loop3A_401, %parallel_loop3A_398 : vector<16xi1>, vector<16xi32>
        %parallel_loop3A_408 = arith.cmpf ogt, %parallel_loop3A_406, %parallel_loop3A_403 : vector<16xf32>
        %parallel_loop3A_409 = arith.select %parallel_loop3A_408, %parallel_loop3A_406, %parallel_loop3A_403 : vector<16xi1>, vector<16xf32>
        %parallel_loop3A_410 = arith.select %parallel_loop3A_408, %parallel_loop3A_407, %parallel_loop3A_404 : vector<16xi1>, vector<16xi32>
        %parallel_loop3A_411 = arith.constant 0 : i32
        %parallel_loop3A_412 = arith.addi %parallel_loop3A_265, %parallel_loop3A_411 : i32
        %parallel_loop3A_413 = arith.constant 16 : i32
        %parallel_loop3A_414 = arith.muli %parallel_loop3A_412, %parallel_loop3A_413 : i32
        %parallel_loop3A_415 = arith.index_cast %parallel_loop3A_414 : i32 to index
        %parallel_loop3A_416 = tpu.vector_load %arg6[%parallel_loop3A_415] {strides = array<i32>} : memref<16384xf32, #tpu.memory_space<vmem>>, vector<16xf32>,
        tpu.vector_store %arg6[%parallel_loop3A_415], %broadcast_in_dim3A_9 {strides = array<i32>} : memref<16384xf32, #tpu.memory_space<vmem>>, vector<16xf32>,
        %parallel_loop3A_417 = arith.constant 1 : i32
        %parallel_loop3A_418 = arith.addi %parallel_loop3A_265, %parallel_loop3A_417 : i32
        %parallel_loop3A_419 = arith.constant 16 : i32
        %parallel_loop3A_420 = arith.muli %parallel_loop3A_418, %parallel_loop3A_419 : i32
        %parallel_loop3A_421 = arith.index_cast %parallel_loop3A_420 : i32 to index
        %parallel_loop3A_422 = tpu.vector_load %arg6[%parallel_loop3A_421] {strides = array<i32>} : memref<16384xf32, #tpu.memory_space<vmem>>, vector<16xf32>,
        tpu.vector_store %arg6[%parallel_loop3A_421], %broadcast_in_dim3A_9 {strides = array<i32>} : memref<16384xf32, #tpu.memory_space<vmem>>, vector<16xf32>,
        %parallel_loop3A_423 = arith.constant 2 : i32
        %parallel_loop3A_424 = arith.addi %parallel_loop3A_265, %parallel_loop3A_423 : i32
        %parallel_loop3A_425 = arith.constant 16 : i32
        %parallel_loop3A_426 = arith.muli %parallel_loop3A_424, %parallel_loop3A_425 : i32
        %parallel_loop3A_427 = arith.index_cast %parallel_loop3A_426 : i32 to index
        %parallel_loop3A_428 = tpu.vector_load %arg6[%parallel_loop3A_427] {strides = array<i32>} : memref<16384xf32, #tpu.memory_space<vmem>>, vector<16xf32>,
        tpu.vector_store %arg6[%parallel_loop3A_427], %broadcast_in_dim3A_9 {strides = array<i32>} : memref<16384xf32, #tpu.memory_space<vmem>>, vector<16xf32>,
        %parallel_loop3A_429 = arith.constant 3 : i32
        %parallel_loop3A_430 = arith.addi %parallel_loop3A_265, %parallel_loop3A_429 : i32
        %parallel_loop3A_431 = arith.constant 16 : i32
        %parallel_loop3A_432 = arith.muli %parallel_loop3A_430, %parallel_loop3A_431 : i32
        %parallel_loop3A_433 = arith.index_cast %parallel_loop3A_432 : i32 to index
        %parallel_loop3A_434 = tpu.vector_load %arg6[%parallel_loop3A_433] {strides = array<i32>} : memref<16384xf32, #tpu.memory_space<vmem>>, vector<16xf32>,
        tpu.vector_store %arg6[%parallel_loop3A_433], %broadcast_in_dim3A_9 {strides = array<i32>} : memref<16384xf32, #tpu.memory_space<vmem>>, vector<16xf32>,
        %parallel_loop3A_435 = arith.constant 4 : i32
        %parallel_loop3A_436 = arith.addi %parallel_loop3A_265, %parallel_loop3A_435 : i32
        %parallel_loop3A_437 = arith.constant 16 : i32
        %parallel_loop3A_438 = arith.muli %parallel_loop3A_436, %parallel_loop3A_437 : i32
        %parallel_loop3A_439 = arith.index_cast %parallel_loop3A_438 : i32 to index
        %parallel_loop3A_440 = tpu.vector_load %arg6[%parallel_loop3A_439] {strides = array<i32>} : memref<16384xf32, #tpu.memory_space<vmem>>, vector<16xf32>,
        tpu.vector_store %arg6[%parallel_loop3A_439], %broadcast_in_dim3A_9 {strides = array<i32>} : memref<16384xf32, #tpu.memory_space<vmem>>, vector<16xf32>,
        %parallel_loop3A_441 = arith.constant 5 : i32
        %parallel_loop3A_442 = arith.addi %parallel_loop3A_265, %parallel_loop3A_441 : i32
        %parallel_loop3A_443 = arith.constant 16 : i32
        %parallel_loop3A_444 = arith.muli %parallel_loop3A_442, %parallel_loop3A_443 : i32
        %parallel_loop3A_445 = arith.index_cast %parallel_loop3A_444 : i32 to index
        %parallel_loop3A_446 = tpu.vector_load %arg6[%parallel_loop3A_445] {strides = array<i32>} : memref<16384xf32, #tpu.memory_space<vmem>>, vector<16xf32>,
        tpu.vector_store %arg6[%parallel_loop3A_445], %broadcast_in_dim3A_9 {strides = array<i32>} : memref<16384xf32, #tpu.memory_space<vmem>>, vector<16xf32>,
        %parallel_loop3A_447 = arith.constant 6 : i32
        %parallel_loop3A_448 = arith.addi %parallel_loop3A_265, %parallel_loop3A_447 : i32
        %parallel_loop3A_449 = arith.constant 16 : i32
        %parallel_loop3A_450 = arith.muli %parallel_loop3A_448, %parallel_loop3A_449 : i32
        %parallel_loop3A_451 = arith.index_cast %parallel_loop3A_450 : i32 to index
        %parallel_loop3A_452 = tpu.vector_load %arg6[%parallel_loop3A_451] {strides = array<i32>} : memref<16384xf32, #tpu.memory_space<vmem>>, vector<16xf32>,
        tpu.vector_store %arg6[%parallel_loop3A_451], %broadcast_in_dim3A_9 {strides = array<i32>} : memref<16384xf32, #tpu.memory_space<vmem>>, vector<16xf32>,
        %parallel_loop3A_453 = arith.constant 7 : i32
        %parallel_loop3A_454 = arith.addi %parallel_loop3A_265, %parallel_loop3A_453 : i32
        %parallel_loop3A_455 = arith.constant 16 : i32
        %parallel_loop3A_456 = arith.muli %parallel_loop3A_454, %parallel_loop3A_455 : i32
        %parallel_loop3A_457 = arith.index_cast %parallel_loop3A_456 : i32 to index
        %parallel_loop3A_458 = tpu.vector_load %arg6[%parallel_loop3A_457] {strides = array<i32>} : memref<16384xf32, #tpu.memory_space<vmem>>, vector<16xf32>,
        tpu.vector_store %arg6[%parallel_loop3A_457], %broadcast_in_dim3A_9 {strides = array<i32>} : memref<16384xf32, #tpu.memory_space<vmem>>, vector<16xf32>,
        %parallel_loop3A_459 = arith.constant 8 : i32
        %parallel_loop3A_460 = arith.addi %parallel_loop3A_265, %parallel_loop3A_459 : i32
        %parallel_loop3A_461 = arith.constant 16 : i32
        %parallel_loop3A_462 = arith.muli %parallel_loop3A_460, %parallel_loop3A_461 : i32
        %parallel_loop3A_463 = arith.index_cast %parallel_loop3A_462 : i32 to index
        %parallel_loop3A_464 = tpu.vector_load %arg6[%parallel_loop3A_463] {strides = array<i32>} : memref<16384xf32, #tpu.memory_space<vmem>>, vector<16xf32>,
        tpu.vector_store %arg6[%parallel_loop3A_463], %broadcast_in_dim3A_9 {strides = array<i32>} : memref<16384xf32, #tpu.memory_space<vmem>>, vector<16xf32>,
        %parallel_loop3A_465 = arith.constant 9 : i32
        %parallel_loop3A_466 = arith.addi %parallel_loop3A_265, %parallel_loop3A_465 : i32
        %parallel_loop3A_467 = arith.constant 16 : i32
        %parallel_loop3A_468 = arith.muli %parallel_loop3A_466, %parallel_loop3A_467 : i32
        %parallel_loop3A_469 = arith.index_cast %parallel_loop3A_468 : i32 to index
        %parallel_loop3A_470 = tpu.vector_load %arg6[%parallel_loop3A_469] {strides = array<i32>} : memref<16384xf32, #tpu.memory_space<vmem>>, vector<16xf32>,
        tpu.vector_store %arg6[%parallel_loop3A_469], %broadcast_in_dim3A_9 {strides = array<i32>} : memref<16384xf32, #tpu.memory_space<vmem>>, vector<16xf32>,
        %parallel_loop3A_471 = arith.constant 10 : i32
        %parallel_loop3A_472 = arith.addi %parallel_loop3A_265, %parallel_loop3A_471 : i32
        %parallel_loop3A_473 = arith.constant 16 : i32
        %parallel_loop3A_474 = arith.muli %parallel_loop3A_472, %parallel_loop3A_473 : i32
        %parallel_loop3A_475 = arith.index_cast %parallel_loop3A_474 : i32 to index
        %parallel_loop3A_476 = tpu.vector_load %arg6[%parallel_loop3A_475] {strides = array<i32>} : memref<16384xf32, #tpu.memory_space<vmem>>, vector<16xf32>,
        tpu.vector_store %arg6[%parallel_loop3A_475], %broadcast_in_dim3A_9 {strides = array<i32>} : memref<16384xf32, #tpu.memory_space<vmem>>, vector<16xf32>,
        %parallel_loop3A_477 = arith.constant 11 : i32
        %parallel_loop3A_478 = arith.addi %parallel_loop3A_265, %parallel_loop3A_477 : i32
        %parallel_loop3A_479 = arith.constant 16 : i32
        %parallel_loop3A_480 = arith.muli %parallel_loop3A_478, %parallel_loop3A_479 : i32
        %parallel_loop3A_481 = arith.index_cast %parallel_loop3A_480 : i32 to index
        %parallel_loop3A_482 = tpu.vector_load %arg6[%parallel_loop3A_481] {strides = array<i32>} : memref<16384xf32, #tpu.memory_space<vmem>>, vector<16xf32>,
        tpu.vector_store %arg6[%parallel_loop3A_481], %broadcast_in_dim3A_9 {strides = array<i32>} : memref<16384xf32, #tpu.memory_space<vmem>>, vector<16xf32>,
        %parallel_loop3A_483 = arith.constant 12 : i32
        %parallel_loop3A_484 = arith.addi %parallel_loop3A_265, %parallel_loop3A_483 : i32
        %parallel_loop3A_485 = arith.constant 16 : i32
        %parallel_loop3A_486 = arith.muli %parallel_loop3A_484, %parallel_loop3A_485 : i32
        %parallel_loop3A_487 = arith.index_cast %parallel_loop3A_486 : i32 to index
        %parallel_loop3A_488 = tpu.vector_load %arg6[%parallel_loop3A_487] {strides = array<i32>} : memref<16384xf32, #tpu.memory_space<vmem>>, vector<16xf32>,
        tpu.vector_store %arg6[%parallel_loop3A_487], %broadcast_in_dim3A_9 {strides = array<i32>} : memref<16384xf32, #tpu.memory_space<vmem>>, vector<16xf32>,
        %parallel_loop3A_489 = arith.constant 13 : i32
        %parallel_loop3A_490 = arith.addi %parallel_loop3A_265, %parallel_loop3A_489 : i32
        %parallel_loop3A_491 = arith.constant 16 : i32
        %parallel_loop3A_492 = arith.muli %parallel_loop3A_490, %parallel_loop3A_491 : i32
        %parallel_loop3A_493 = arith.index_cast %parallel_loop3A_492 : i32 to index
        %parallel_loop3A_494 = tpu.vector_load %arg6[%parallel_loop3A_493] {strides = array<i32>} : memref<16384xf32, #tpu.memory_space<vmem>>, vector<16xf32>,
        tpu.vector_store %arg6[%parallel_loop3A_493], %broadcast_in_dim3A_9 {strides = array<i32>} : memref<16384xf32, #tpu.memory_space<vmem>>, vector<16xf32>,
        %parallel_loop3A_495 = arith.constant 14 : i32
        %parallel_loop3A_496 = arith.addi %parallel_loop3A_265, %parallel_loop3A_495 : i32
        %parallel_loop3A_497 = arith.constant 16 : i32
        %parallel_loop3A_498 = arith.muli %parallel_loop3A_496, %parallel_loop3A_497 : i32
        %parallel_loop3A_499 = arith.index_cast %parallel_loop3A_498 : i32 to index
        %parallel_loop3A_500 = tpu.vector_load %arg6[%parallel_loop3A_499] {strides = array<i32>} : memref<16384xf32, #tpu.memory_space<vmem>>, vector<16xf32>,
        tpu.vector_store %arg6[%parallel_loop3A_499], %broadcast_in_dim3A_9 {strides = array<i32>} : memref<16384xf32, #tpu.memory_space<vmem>>, vector<16xf32>,
        %parallel_loop3A_501 = arith.constant 15 : i32
        %parallel_loop3A_502 = arith.addi %parallel_loop3A_265, %parallel_loop3A_501 : i32
        %parallel_loop3A_503 = arith.constant 16 : i32
        %parallel_loop3A_504 = arith.muli %parallel_loop3A_502, %parallel_loop3A_503 : i32
        %parallel_loop3A_505 = arith.index_cast %parallel_loop3A_504 : i32 to index
        %parallel_loop3A_506 = tpu.vector_load %arg6[%parallel_loop3A_505] {strides = array<i32>} : memref<16384xf32, #tpu.memory_space<vmem>>, vector<16xf32>,
        tpu.vector_store %arg6[%parallel_loop3A_505], %broadcast_in_dim3A_9 {strides = array<i32>} : memref<16384xf32, #tpu.memory_space<vmem>>, vector<16xf32>,
        %parallel_loop3A_507 = arith.constant 16 : i32
        %parallel_loop3A_508 = arith.muli %parallel_loop3A_265, %parallel_loop3A_507 : i32
        %parallel_loop3A_509 = vector.broadcast %parallel_loop3A_508 : i32 to vector<16xi32>
        %parallel_loop3A_510 = arith.addi %parallel_loop3A_509, %mul3A_8 : vector<16xi32>
        %parallel_loop3A_511 = arith.addi %parallel_loop3A_510, %parallel_loop3A_410 : vector<16xi32>
        %parallel_loop3A_512 = vector.broadcast %mul3A_88 : i32 to vector<16xi32>
        %parallel_loop3A_513 = arith.addi %parallel_loop3A_511, %parallel_loop3A_512 : vector<16xi32>
        %parallel_loop3A_514 = tpu.vector_load_idx %arg4[%parallel_loop3A_513] : memref<17408xf32, #tpu.memory_space<vmem>>[vector<16xi32>], vector<16xf32>,
        tpu.vector_store_idx %arg6[%parallel_loop3A_511], %parallel_loop3A_514 : memref<16384xf32, #tpu.memory_space<vmem>>[vector<16xi32>], vector<16xf32>,
      } {sc.loop_unroll_factor = 1 : i64, sc.parallel_access}
      %jit3A_91 = arith.constant 2 : i32
      %div3A_92 = arith.divsi %add3A_46, %jit3A_91 : i32
      %sign3A_93 = arith.constant 0 : i32
      %sign3A_94 = arith.cmpi sgt, %add3A_46, %sign3A_93 : i32
      %sign3A_95 = arith.extui %sign3A_94 : i1 to i32
      %sign3A_96 = arith.constant 0 : i32
      %sign3A_97 = arith.cmpi slt, %add3A_46, %sign3A_96 : i32
      %sign3A_98 = arith.extui %sign3A_97 : i1 to i32
      %sign3A_99 = arith.subi %sign3A_95, %sign3A_98 : i32
      %sign3A_100 = arith.constant 0 : i32
      %sign3A_101 = arith.cmpi sgt, %jit3A_91, %sign3A_100 : i32
      %sign3A_102 = arith.extui %sign3A_101 : i1 to i32
      %sign3A_103 = arith.constant 0 : i32
      %sign3A_104 = arith.cmpi slt, %jit3A_91, %sign3A_103 : i32
      %sign3A_105 = arith.extui %sign3A_104 : i1 to i32
      %sign3A_106 = arith.subi %sign3A_102, %sign3A_105 : i32
      %ne3A_107 = arith.cmpi ne, %sign3A_99, %sign3A_106 : i32
      %rem3A_108 = arith.remsi %add3A_46, %jit3A_91 : i32
      %ne3A_109 = arith.constant 0 : i32
      %ne3A_110 = arith.cmpi ne, %rem3A_108, %ne3A_109 : i32
      %and3A_111 = arith.andi %ne3A_107, %ne3A_110 : i1
      %sub3A_112 = arith.constant 1 : i32
      %sub3A_113 = arith.subi %div3A_92, %sub3A_112 : i32
      %select_n3A_114 = arith.select %and3A_111, %sub3A_113, %div3A_92 : i32
      %add3A_115 = arith.addi %mul3A_2, %select_n3A_114 : i32
      %jit3A_116 = arith.constant 2 : i32
      %eq3A_117 = arith.constant 0 : i32
      %eq3A_118 = arith.cmpi eq, %jit3A_116, %eq3A_117 : i32
      %jit3A_119 = arith.constant 1 : i32
      %select_n3A_120 = arith.select %eq3A_118, %jit3A_119, %jit3A_116 : i32
      %rem3A_121 = arith.remsi %add3A_46, %select_n3A_120 : i32
      %ne3A_122 = arith.constant 0 : i32
      %ne3A_123 = arith.cmpi ne, %rem3A_121, %ne3A_122 : i32
      %lt3A_124 = arith.constant 0 : i32
      %lt3A_125 = arith.cmpi slt, %rem3A_121, %lt3A_124 : i32
      %lt3A_126 = arith.constant 0 : i32
      %lt3A_127 = arith.cmpi slt, %select_n3A_120, %lt3A_126 : i32
      %ne3A_128 = arith.xori %lt3A_125, %lt3A_127 : i1
      %and3A_129 = arith.andi %ne3A_128, %ne3A_123 : i1
      %add3A_130 = arith.addi %rem3A_121, %select_n3A_120 : i32
      %select_n3A_131 = arith.select %and3A_129, %add3A_130, %rem3A_121 : i32
      %mul3A_132 = arith.constant 1024 : i32
      %mul3A_133 = arith.muli %select_n3A_131, %mul3A_132 : i32
      %mul3A_134 = arith.constant 16 : i32
      %mul3A_135 = arith.muli %mul3A_133, %mul3A_134 : i32
      %dma_start3A_136 = tpu.memref_slice %arg3[%add3A_115, %mul3A_135] : memref<128x32768xf32, #tpu.memory_space<hbm>> -> memref<1x16384xf32, #tpu.memory_space<hbm>>
      %dma_start3A_137 = tpu.memref_squeeze %dma_start3A_136 : memref<1x16384xf32, #tpu.memory_space<hbm>> -> memref<16384xf32, #tpu.memory_space<hbm>>
      %dma_start3A_138 = tpu.memref_slice %arg3[%add3A_115, %mul3A_135] : memref<128x32768xf32, #tpu.memory_space<hbm>> -> memref<1x16384xf32, #tpu.memory_space<hbm>>
      %dma_start3A_139 = tpu.memref_squeeze %dma_start3A_138 : memref<1x16384xf32, #tpu.memory_space<hbm>> -> memref<16384xf32, #tpu.memory_space<hbm>>
      tpu.enqueue_dma source(%arg6 : memref<16384xf32, #tpu.memory_space<vmem>>) target(%dma_start3A_139 : memref<16384xf32, #tpu.memory_space<hbm>>) target_semaphore(%arg10 : memref<!tpu.dma_semaphore, #tpu.memory_space<semaphore_mem>>)
      %add3A_140 = arith.constant 2 : i32
      %add3A_141 = arith.addi %add3A_46, %add3A_140 : i32
      %lt3A_142 = arith.constant 8 : i32
      %lt3A_143 = arith.cmpi slt, %add3A_141, %lt3A_142 : i32
      %convert_element_type3A_144 = arith.extui %lt3A_143 : i1 to i32
      %cond3A_145 = arith.constant 0 : i32
      %cond3A_146 = arith.cmpi ne, %convert_element_type3A_144, %cond3A_145 : i32
      scf.if %cond3A_146 {
        %add3A_263 = arith.constant 2 : i32
        %add3A_264 = arith.addi %add3A_46, %add3A_263 : i32
        %jit3A_265 = arith.constant 2 : i32
        %div3A_266 = arith.divsi %add3A_264, %jit3A_265 : i32
        %sign3A_267 = arith.constant 0 : i32
        %sign3A_268 = arith.cmpi sgt, %add3A_264, %sign3A_267 : i32
        %sign3A_269 = arith.extui %sign3A_268 : i1 to i32
        %sign3A_270 = arith.constant 0 : i32
        %sign3A_271 = arith.cmpi slt, %add3A_264, %sign3A_270 : i32
        %sign3A_272 = arith.extui %sign3A_271 : i1 to i32
        %sign3A_273 = arith.subi %sign3A_269, %sign3A_272 : i32
        %sign3A_274 = arith.constant 0 : i32
        %sign3A_275 = arith.cmpi sgt, %jit3A_265, %sign3A_274 : i32
        %sign3A_276 = arith.extui %sign3A_275 : i1 to i32
        %sign3A_277 = arith.constant 0 : i32
        %sign3A_278 = arith.cmpi slt, %jit3A_265, %sign3A_277 : i32
        %sign3A_279 = arith.extui %sign3A_278 : i1 to i32
        %sign3A_280 = arith.subi %sign3A_276, %sign3A_279 : i32
        %ne3A_281 = arith.cmpi ne, %sign3A_273, %sign3A_280 : i32
        %rem3A_282 = arith.remsi %add3A_264, %jit3A_265 : i32
        %ne3A_283 = arith.constant 0 : i32
        %ne3A_284 = arith.cmpi ne, %rem3A_282, %ne3A_283 : i32
        %and3A_285 = arith.andi %ne3A_281, %ne3A_284 : i1
        %sub3A_286 = arith.constant 1 : i32
        %sub3A_287 = arith.subi %div3A_266, %sub3A_286 : i32
        %select_n3A_288 = arith.select %and3A_285, %sub3A_287, %div3A_266 : i32
        %add3A_289 = arith.addi %mul3A_2, %select_n3A_288 : i32
        %jit3A_290 = arith.constant 2 : i32
        %eq3A_291 = arith.constant 0 : i32
        %eq3A_292 = arith.cmpi eq, %jit3A_290, %eq3A_291 : i32
        %jit3A_293 = arith.constant 1 : i32
        %select_n3A_294 = arith.select %eq3A_292, %jit3A_293, %jit3A_290 : i32
        %rem3A_295 = arith.remsi %add3A_264, %select_n3A_294 : i32
        %ne3A_296 = arith.constant 0 : i32
        %ne3A_297 = arith.cmpi ne, %rem3A_295, %ne3A_296 : i32
        %lt3A_298 = arith.constant 0 : i32
        %lt3A_299 = arith.cmpi slt, %rem3A_295, %lt3A_298 : i32
        %lt3A_300 = arith.constant 0 : i32
        %lt3A_301 = arith.cmpi slt, %select_n3A_294, %lt3A_300 : i32
        %ne3A_302 = arith.xori %lt3A_299, %lt3A_301 : i1
        %and3A_303 = arith.andi %ne3A_302, %ne3A_297 : i1
        %add3A_304 = arith.addi %rem3A_295, %select_n3A_294 : i32
        %select_n3A_305 = arith.select %and3A_303, %add3A_304, %rem3A_295 : i32
        %mul3A_306 = arith.constant 1024 : i32
        %mul3A_307 = arith.muli %select_n3A_305, %mul3A_306 : i32
        %mul3A_308 = arith.constant 15 : i32
        %mul3A_309 = arith.muli %mul3A_307, %mul3A_308 : i32
        %dma_start3A_310 = tpu.memref_slice %arg2[%add3A_289, %mul3A_309] : memref<128x32768xf32, #tpu.memory_space<hbm>> -> memref<1x17408xf32, #tpu.memory_space<hbm>>
        %dma_start3A_311 = tpu.memref_squeeze %dma_start3A_310 : memref<1x17408xf32, #tpu.memory_space<hbm>> -> memref<17408xf32, #tpu.memory_space<hbm>>
        %dma_start3A_312 = tpu.memref_slice %arg2[%add3A_289, %mul3A_309] : memref<128x32768xf32, #tpu.memory_space<hbm>> -> memref<1x17408xf32, #tpu.memory_space<hbm>>
        %dma_start3A_313 = tpu.memref_squeeze %dma_start3A_312 : memref<1x17408xf32, #tpu.memory_space<hbm>> -> memref<17408xf32, #tpu.memory_space<hbm>>
        tpu.enqueue_dma source(%dma_start3A_313 : memref<17408xf32, #tpu.memory_space<hbm>>) target(%arg4 : memref<17408xf32, #tpu.memory_space<vmem>>) target_semaphore(%arg8 : memref<!tpu.dma_semaphore, #tpu.memory_space<semaphore_mem>>)
      } else {
      }
      %add3A_147 = arith.constant 1 : i32
      %add3A_148 = arith.addi %mul3A_44, %add3A_147 : i32
      %dma_wait3A_149 = arith.constant 0 : i32
      %dma_wait3A_150 = arith.constant 0 : i32
      %dma_wait3A_151 = tpu.memref_slice %arg2[%dma_wait3A_149, %dma_wait3A_150] : memref<128x32768xf32, #tpu.memory_space<hbm>> -> memref<1x17408xf32, #tpu.memory_space<hbm>>
      %dma_wait3A_152 = tpu.memref_squeeze %dma_wait3A_151 : memref<1x17408xf32, #tpu.memory_space<hbm>> -> memref<17408xf32, #tpu.memory_space<hbm>>
      %dma_wait3A_153 = arith.constant 0 : i32
      %dma_wait3A_154 = tpu.memref_slice %arg2[%dma_wait3A_149, %dma_wait3A_153] : memref<128x32768xf32, #tpu.memory_space<hbm>> -> memref<1x17408xf32, #tpu.memory_space<hbm>>
      %dma_wait3A_155 = tpu.memref_squeeze %dma_wait3A_154 : memref<1x17408xf32, #tpu.memory_space<hbm>> -> memref<17408xf32, #tpu.memory_space<hbm>>
      tpu.wait_dma2 semaphore(%arg9 : memref<!tpu.dma_semaphore, #tpu.memory_space<semaphore_mem>>) src(%dma_wait3A_155 : memref<17408xf32, #tpu.memory_space<hbm>>) dst(%arg5 : memref<17408xf32, #tpu.memory_space<vmem>>)
      %ge3A_156 = arith.constant 2 : i32
      %ge3A_157 = arith.cmpi sge, %add3A_148, %ge3A_156 : i32
      %convert_element_type3A_158 = arith.extui %ge3A_157 : i1 to i32
      %cond3A_159 = arith.constant 0 : i32
      %cond3A_160 = arith.cmpi ne, %convert_element_type3A_158, %cond3A_159 : i32
      scf.if %cond3A_160 {
        %dma_wait3A_263 = arith.constant 0 : i32
        %dma_wait3A_264 = arith.constant 0 : i32
        %dma_wait3A_265 = tpu.memref_slice %arg3[%dma_wait3A_263, %dma_wait3A_264] : memref<128x32768xf32, #tpu.memory_space<hbm>> -> memref<1x16384xf32, #tpu.memory_space<hbm>>
        %dma_wait3A_266 = tpu.memref_squeeze %dma_wait3A_265 : memref<1x16384xf32, #tpu.memory_space<hbm>> -> memref<16384xf32, #tpu.memory_space<hbm>>
        %dma_wait3A_267 = arith.constant 0 : i32
        %dma_wait3A_268 = tpu.memref_slice %arg3[%dma_wait3A_263, %dma_wait3A_267] : memref<128x32768xf32, #tpu.memory_space<hbm>> -> memref<1x16384xf32, #tpu.memory_space<hbm>>
        %dma_wait3A_269 = tpu.memref_squeeze %dma_wait3A_268 : memref<1x16384xf32, #tpu.memory_space<hbm>> -> memref<16384xf32, #tpu.memory_space<hbm>>
        tpu.wait_dma2 semaphore(%arg11 : memref<!tpu.dma_semaphore, #tpu.memory_space<semaphore_mem>>) src(%arg7 : memref<16384xf32, #tpu.memory_space<vmem>>) dst(%dma_wait3A_269 : memref<16384xf32, #tpu.memory_space<hbm>>)
      } else {
      }
      %jit3A_161 = arith.constant 2 : i32
      %div3A_162 = arith.divsi %add3A_148, %jit3A_161 : i32
      %sign3A_163 = arith.constant 0 : i32
      %sign3A_164 = arith.cmpi sgt, %add3A_148, %sign3A_163 : i32
      %sign3A_165 = arith.extui %sign3A_164 : i1 to i32
      %sign3A_166 = arith.constant 0 : i32
      %sign3A_167 = arith.cmpi slt, %add3A_148, %sign3A_166 : i32
      %sign3A_168 = arith.extui %sign3A_167 : i1 to i32
      %sign3A_169 = arith.subi %sign3A_165, %sign3A_168 : i32
      %sign3A_170 = arith.constant 0 : i32
      %sign3A_171 = arith.cmpi sgt, %jit3A_161, %sign3A_170 : i32
      %sign3A_172 = arith.extui %sign3A_171 : i1 to i32
      %sign3A_173 = arith.constant 0 : i32
      %sign3A_174 = arith.cmpi slt, %jit3A_161, %sign3A_173 : i32
      %sign3A_175 = arith.extui %sign3A_174 : i1 to i32
      %sign3A_176 = arith.subi %sign3A_172, %sign3A_175 : i32
      %ne3A_177 = arith.cmpi ne, %sign3A_169, %sign3A_176 : i32
      %rem3A_178 = arith.remsi %add3A_148, %jit3A_161 : i32
      %ne3A_179 = arith.constant 0 : i32
      %ne3A_180 = arith.cmpi ne, %rem3A_178, %ne3A_179 : i32
      %and3A_181 = arith.andi %ne3A_177, %ne3A_180 : i1
      %sub3A_182 = arith.constant 1 : i32
      %sub3A_183 = arith.subi %div3A_162, %sub3A_182 : i32
      %select_n3A_184 = arith.select %and3A_181, %sub3A_183, %div3A_162 : i32
      %add3A_185 = arith.addi %mul3A_2, %select_n3A_184 : i32
      %jit3A_186 = arith.constant 2 : i32
      %eq3A_187 = arith.constant 0 : i32
      %eq3A_188 = arith.cmpi eq, %jit3A_186, %eq3A_187 : i32
      %jit3A_189 = arith.constant 1 : i32
      %select_n3A_190 = arith.select %eq3A_188, %jit3A_189, %jit3A_186 : i32
      %rem3A_191 = arith.remsi %add3A_148, %select_n3A_190 : i32
      %ne3A_192 = arith.constant 0 : i32
      %ne3A_193 = arith.cmpi ne, %rem3A_191, %ne3A_192 : i32
      %lt3A_194 = arith.constant 0 : i32
      %lt3A_195 = arith.cmpi slt, %rem3A_191, %lt3A_194 : i32
      %lt3A_196 = arith.constant 0 : i32
      %lt3A_197 = arith.cmpi slt, %select_n3A_190, %lt3A_196 : i32
      %ne3A_198 = arith.xori %lt3A_195, %lt3A_197 : i1
      %and3A_199 = arith.andi %ne3A_198, %ne3A_193 : i1
      %add3A_200 = arith.addi %rem3A_191, %select_n3A_190 : i32
      %select_n3A_201 = arith.select %and3A_199, %add3A_200, %rem3A_191 : i32
      %mul3A_202 = arith.constant 1024 : i32
      %mul3A_203 = arith.muli %select_n3A_201, %mul3A_202 : i32
      %parallel_loop3A_204 = arith.constant 0 : i32
      %parallel_loop3A_205 = arith.constant 64 : i32
      %parallel_loop3A_206 = arith.constant 1 : i32
      scf.for %parallel_loop3A_263 = %parallel_loop3A_204 to %parallel_loop3A_205 step %parallel_loop3A_206  : i32 {
        %parallel_loop3A_264 = arith.constant 16 : i32
        %parallel_loop3A_265 = arith.muli %parallel_loop3A_263, %parallel_loop3A_264 : i32
        %parallel_loop3A_266 = arith.constant 15 : i32
        %parallel_loop3A_267 = arith.muli %parallel_loop3A_265, %parallel_loop3A_266 : i32
        %parallel_loop3A_268 = vector.broadcast %parallel_loop3A_267 : i32 to vector<16xi32>
        %parallel_loop3A_269 = arith.addi %parallel_loop3A_268, %mul3A_5 : vector<16xi32>
        %parallel_loop3A_270 = arith.constant 0 : i32
        %parallel_loop3A_271 = vector.broadcast %parallel_loop3A_270 : i32 to vector<16xi32>
        %parallel_loop3A_272 = arith.addi %parallel_loop3A_269, %parallel_loop3A_271 : vector<16xi32>
        %parallel_loop3A_273 = tpu.vector_load_idx %arg5[%parallel_loop3A_272] : memref<17408xf32, #tpu.memory_space<vmem>>[vector<16xi32>], vector<16xf32>,
        %parallel_loop3A_274 = arith.constant 1 : i32
        %parallel_loop3A_275 = vector.broadcast %parallel_loop3A_274 : i32 to vector<16xi32>
        %parallel_loop3A_276 = arith.addi %parallel_loop3A_269, %parallel_loop3A_275 : vector<16xi32>
        %parallel_loop3A_277 = tpu.vector_load_idx %arg5[%parallel_loop3A_276] : memref<17408xf32, #tpu.memory_space<vmem>>[vector<16xi32>], vector<16xf32>,
        %parallel_loop3A_278 = arith.constant 2 : i32
        %parallel_loop3A_279 = vector.broadcast %parallel_loop3A_278 : i32 to vector<16xi32>
        %parallel_loop3A_280 = arith.addi %parallel_loop3A_269, %parallel_loop3A_279 : vector<16xi32>
        %parallel_loop3A_281 = tpu.vector_load_idx %arg5[%parallel_loop3A_280] : memref<17408xf32, #tpu.memory_space<vmem>>[vector<16xi32>], vector<16xf32>,
        %parallel_loop3A_282 = arith.constant 3 : i32
        %parallel_loop3A_283 = vector.broadcast %parallel_loop3A_282 : i32 to vector<16xi32>
        %parallel_loop3A_284 = arith.addi %parallel_loop3A_269, %parallel_loop3A_283 : vector<16xi32>
        %parallel_loop3A_285 = tpu.vector_load_idx %arg5[%parallel_loop3A_284] : memref<17408xf32, #tpu.memory_space<vmem>>[vector<16xi32>], vector<16xf32>,
        %parallel_loop3A_286 = arith.constant 4 : i32
        %parallel_loop3A_287 = vector.broadcast %parallel_loop3A_286 : i32 to vector<16xi32>
        %parallel_loop3A_288 = arith.addi %parallel_loop3A_269, %parallel_loop3A_287 : vector<16xi32>
        %parallel_loop3A_289 = tpu.vector_load_idx %arg5[%parallel_loop3A_288] : memref<17408xf32, #tpu.memory_space<vmem>>[vector<16xi32>], vector<16xf32>,
        %parallel_loop3A_290 = arith.constant 5 : i32
        %parallel_loop3A_291 = vector.broadcast %parallel_loop3A_290 : i32 to vector<16xi32>
        %parallel_loop3A_292 = arith.addi %parallel_loop3A_269, %parallel_loop3A_291 : vector<16xi32>
        %parallel_loop3A_293 = tpu.vector_load_idx %arg5[%parallel_loop3A_292] : memref<17408xf32, #tpu.memory_space<vmem>>[vector<16xi32>], vector<16xf32>,
        %parallel_loop3A_294 = arith.constant 6 : i32
        %parallel_loop3A_295 = vector.broadcast %parallel_loop3A_294 : i32 to vector<16xi32>
        %parallel_loop3A_296 = arith.addi %parallel_loop3A_269, %parallel_loop3A_295 : vector<16xi32>
        %parallel_loop3A_297 = tpu.vector_load_idx %arg5[%parallel_loop3A_296] : memref<17408xf32, #tpu.memory_space<vmem>>[vector<16xi32>], vector<16xf32>,
        %parallel_loop3A_298 = arith.constant 7 : i32
        %parallel_loop3A_299 = vector.broadcast %parallel_loop3A_298 : i32 to vector<16xi32>
        %parallel_loop3A_300 = arith.addi %parallel_loop3A_269, %parallel_loop3A_299 : vector<16xi32>
        %parallel_loop3A_301 = tpu.vector_load_idx %arg5[%parallel_loop3A_300] : memref<17408xf32, #tpu.memory_space<vmem>>[vector<16xi32>], vector<16xf32>,
        %parallel_loop3A_302 = arith.constant 8 : i32
        %parallel_loop3A_303 = vector.broadcast %parallel_loop3A_302 : i32 to vector<16xi32>
        %parallel_loop3A_304 = arith.addi %parallel_loop3A_269, %parallel_loop3A_303 : vector<16xi32>
        %parallel_loop3A_305 = tpu.vector_load_idx %arg5[%parallel_loop3A_304] : memref<17408xf32, #tpu.memory_space<vmem>>[vector<16xi32>], vector<16xf32>,
        %parallel_loop3A_306 = arith.constant 9 : i32
        %parallel_loop3A_307 = vector.broadcast %parallel_loop3A_306 : i32 to vector<16xi32>
        %parallel_loop3A_308 = arith.addi %parallel_loop3A_269, %parallel_loop3A_307 : vector<16xi32>
        %parallel_loop3A_309 = tpu.vector_load_idx %arg5[%parallel_loop3A_308] : memref<17408xf32, #tpu.memory_space<vmem>>[vector<16xi32>], vector<16xf32>,
        %parallel_loop3A_310 = arith.constant 10 : i32
        %parallel_loop3A_311 = vector.broadcast %parallel_loop3A_310 : i32 to vector<16xi32>
        %parallel_loop3A_312 = arith.addi %parallel_loop3A_269, %parallel_loop3A_311 : vector<16xi32>
        %parallel_loop3A_313 = tpu.vector_load_idx %arg5[%parallel_loop3A_312] : memref<17408xf32, #tpu.memory_space<vmem>>[vector<16xi32>], vector<16xf32>,
        %parallel_loop3A_314 = arith.constant 11 : i32
        %parallel_loop3A_315 = vector.broadcast %parallel_loop3A_314 : i32 to vector<16xi32>
        %parallel_loop3A_316 = arith.addi %parallel_loop3A_269, %parallel_loop3A_315 : vector<16xi32>
        %parallel_loop3A_317 = tpu.vector_load_idx %arg5[%parallel_loop3A_316] : memref<17408xf32, #tpu.memory_space<vmem>>[vector<16xi32>], vector<16xf32>,
        %parallel_loop3A_318 = arith.constant 12 : i32
        %parallel_loop3A_319 = vector.broadcast %parallel_loop3A_318 : i32 to vector<16xi32>
        %parallel_loop3A_320 = arith.addi %parallel_loop3A_269, %parallel_loop3A_319 : vector<16xi32>
        %parallel_loop3A_321 = tpu.vector_load_idx %arg5[%parallel_loop3A_320] : memref<17408xf32, #tpu.memory_space<vmem>>[vector<16xi32>], vector<16xf32>,
        %parallel_loop3A_322 = arith.constant 13 : i32
        %parallel_loop3A_323 = vector.broadcast %parallel_loop3A_322 : i32 to vector<16xi32>
        %parallel_loop3A_324 = arith.addi %parallel_loop3A_269, %parallel_loop3A_323 : vector<16xi32>
        %parallel_loop3A_325 = tpu.vector_load_idx %arg5[%parallel_loop3A_324] : memref<17408xf32, #tpu.memory_space<vmem>>[vector<16xi32>], vector<16xf32>,
        %parallel_loop3A_326 = arith.constant 14 : i32
        %parallel_loop3A_327 = vector.broadcast %parallel_loop3A_326 : i32 to vector<16xi32>
        %parallel_loop3A_328 = arith.addi %parallel_loop3A_269, %parallel_loop3A_327 : vector<16xi32>
        %parallel_loop3A_329 = tpu.vector_load_idx %arg5[%parallel_loop3A_328] : memref<17408xf32, #tpu.memory_space<vmem>>[vector<16xi32>], vector<16xf32>,
        %parallel_loop3A_330 = arith.constant 15 : i32
        %parallel_loop3A_331 = vector.broadcast %parallel_loop3A_330 : i32 to vector<16xi32>
        %parallel_loop3A_332 = arith.addi %parallel_loop3A_269, %parallel_loop3A_331 : vector<16xi32>
        %parallel_loop3A_333 = tpu.vector_load_idx %arg5[%parallel_loop3A_332] : memref<17408xf32, #tpu.memory_space<vmem>>[vector<16xi32>], vector<16xf32>,
        %parallel_loop3A_334 = arith.constant 0 : i32
        %parallel_loop3A_335 = vector.broadcast %parallel_loop3A_334 : i32 to vector<16xi32>
        %parallel_loop3A_336 = arith.constant 1 : i32
        %parallel_loop3A_337 = vector.broadcast %parallel_loop3A_336 : i32 to vector<16xi32>
        %parallel_loop3A_338 = arith.constant 2 : i32
        %parallel_loop3A_339 = vector.broadcast %parallel_loop3A_338 : i32 to vector<16xi32>
        %parallel_loop3A_340 = arith.constant 3 : i32
        %parallel_loop3A_341 = vector.broadcast %parallel_loop3A_340 : i32 to vector<16xi32>
        %parallel_loop3A_342 = arith.constant 4 : i32
        %parallel_loop3A_343 = vector.broadcast %parallel_loop3A_342 : i32 to vector<16xi32>
        %parallel_loop3A_344 = arith.constant 5 : i32
        %parallel_loop3A_345 = vector.broadcast %parallel_loop3A_344 : i32 to vector<16xi32>
        %parallel_loop3A_346 = arith.constant 6 : i32
        %parallel_loop3A_347 = vector.broadcast %parallel_loop3A_346 : i32 to vector<16xi32>
        %parallel_loop3A_348 = arith.constant 7 : i32
        %parallel_loop3A_349 = vector.broadcast %parallel_loop3A_348 : i32 to vector<16xi32>
        %parallel_loop3A_350 = arith.constant 8 : i32
        %parallel_loop3A_351 = vector.broadcast %parallel_loop3A_350 : i32 to vector<16xi32>
        %parallel_loop3A_352 = arith.constant 9 : i32
        %parallel_loop3A_353 = vector.broadcast %parallel_loop3A_352 : i32 to vector<16xi32>
        %parallel_loop3A_354 = arith.constant 10 : i32
        %parallel_loop3A_355 = vector.broadcast %parallel_loop3A_354 : i32 to vector<16xi32>
        %parallel_loop3A_356 = arith.constant 11 : i32
        %parallel_loop3A_357 = vector.broadcast %parallel_loop3A_356 : i32 to vector<16xi32>
        %parallel_loop3A_358 = arith.constant 12 : i32
        %parallel_loop3A_359 = vector.broadcast %parallel_loop3A_358 : i32 to vector<16xi32>
        %parallel_loop3A_360 = arith.constant 13 : i32
        %parallel_loop3A_361 = vector.broadcast %parallel_loop3A_360 : i32 to vector<16xi32>
        %parallel_loop3A_362 = arith.constant 14 : i32
        %parallel_loop3A_363 = vector.broadcast %parallel_loop3A_362 : i32 to vector<16xi32>
        %parallel_loop3A_364 = arith.constant 15 : i32
        %parallel_loop3A_365 = vector.broadcast %parallel_loop3A_364 : i32 to vector<16xi32>
        %parallel_loop3A_366 = arith.cmpf ogt, %parallel_loop3A_277, %parallel_loop3A_273 : vector<16xf32>
        %parallel_loop3A_367 = arith.select %parallel_loop3A_366, %parallel_loop3A_277, %parallel_loop3A_273 : vector<16xi1>, vector<16xf32>
        %parallel_loop3A_368 = arith.select %parallel_loop3A_366, %parallel_loop3A_337, %parallel_loop3A_335 : vector<16xi1>, vector<16xi32>
        %parallel_loop3A_369 = arith.cmpf ogt, %parallel_loop3A_285, %parallel_loop3A_281 : vector<16xf32>
        %parallel_loop3A_370 = arith.select %parallel_loop3A_369, %parallel_loop3A_285, %parallel_loop3A_281 : vector<16xi1>, vector<16xf32>
        %parallel_loop3A_371 = arith.select %parallel_loop3A_369, %parallel_loop3A_341, %parallel_loop3A_339 : vector<16xi1>, vector<16xi32>
        %parallel_loop3A_372 = arith.cmpf ogt, %parallel_loop3A_293, %parallel_loop3A_289 : vector<16xf32>
        %parallel_loop3A_373 = arith.select %parallel_loop3A_372, %parallel_loop3A_293, %parallel_loop3A_289 : vector<16xi1>, vector<16xf32>
        %parallel_loop3A_374 = arith.select %parallel_loop3A_372, %parallel_loop3A_345, %parallel_loop3A_343 : vector<16xi1>, vector<16xi32>
        %parallel_loop3A_375 = arith.cmpf ogt, %parallel_loop3A_301, %parallel_loop3A_297 : vector<16xf32>
        %parallel_loop3A_376 = arith.select %parallel_loop3A_375, %parallel_loop3A_301, %parallel_loop3A_297 : vector<16xi1>, vector<16xf32>
        %parallel_loop3A_377 = arith.select %parallel_loop3A_375, %parallel_loop3A_349, %parallel_loop3A_347 : vector<16xi1>, vector<16xi32>
        %parallel_loop3A_378 = arith.cmpf ogt, %parallel_loop3A_309, %parallel_loop3A_305 : vector<16xf32>
        %parallel_loop3A_379 = arith.select %parallel_loop3A_378, %parallel_loop3A_309, %parallel_loop3A_305 : vector<16xi1>, vector<16xf32>
        %parallel_loop3A_380 = arith.select %parallel_loop3A_378, %parallel_loop3A_353, %parallel_loop3A_351 : vector<16xi1>, vector<16xi32>
        %parallel_loop3A_381 = arith.cmpf ogt, %parallel_loop3A_317, %parallel_loop3A_313 : vector<16xf32>
        %parallel_loop3A_382 = arith.select %parallel_loop3A_381, %parallel_loop3A_317, %parallel_loop3A_313 : vector<16xi1>, vector<16xf32>
        %parallel_loop3A_383 = arith.select %parallel_loop3A_381, %parallel_loop3A_357, %parallel_loop3A_355 : vector<16xi1>, vector<16xi32>
        %parallel_loop3A_384 = arith.cmpf ogt, %parallel_loop3A_325, %parallel_loop3A_321 : vector<16xf32>
        %parallel_loop3A_385 = arith.select %parallel_loop3A_384, %parallel_loop3A_325, %parallel_loop3A_321 : vector<16xi1>, vector<16xf32>
        %parallel_loop3A_386 = arith.select %parallel_loop3A_384, %parallel_loop3A_361, %parallel_loop3A_359 : vector<16xi1>, vector<16xi32>
        %parallel_loop3A_387 = arith.cmpf ogt, %parallel_loop3A_333, %parallel_loop3A_329 : vector<16xf32>
        %parallel_loop3A_388 = arith.select %parallel_loop3A_387, %parallel_loop3A_333, %parallel_loop3A_329 : vector<16xi1>, vector<16xf32>
        %parallel_loop3A_389 = arith.select %parallel_loop3A_387, %parallel_loop3A_365, %parallel_loop3A_363 : vector<16xi1>, vector<16xi32>
        %parallel_loop3A_390 = arith.cmpf ogt, %parallel_loop3A_370, %parallel_loop3A_367 : vector<16xf32>
        %parallel_loop3A_391 = arith.select %parallel_loop3A_390, %parallel_loop3A_370, %parallel_loop3A_367 : vector<16xi1>, vector<16xf32>
        %parallel_loop3A_392 = arith.select %parallel_loop3A_390, %parallel_loop3A_371, %parallel_loop3A_368 : vector<16xi1>, vector<16xi32>
        %parallel_loop3A_393 = arith.cmpf ogt, %parallel_loop3A_376, %parallel_loop3A_373 : vector<16xf32>
        %parallel_loop3A_394 = arith.select %parallel_loop3A_393, %parallel_loop3A_376, %parallel_loop3A_373 : vector<16xi1>, vector<16xf32>
        %parallel_loop3A_395 = arith.select %parallel_loop3A_393, %parallel_loop3A_377, %parallel_loop3A_374 : vector<16xi1>, vector<16xi32>
        %parallel_loop3A_396 = arith.cmpf ogt, %parallel_loop3A_382, %parallel_loop3A_379 : vector<16xf32>
        %parallel_loop3A_397 = arith.select %parallel_loop3A_396, %parallel_loop3A_382, %parallel_loop3A_379 : vector<16xi1>, vector<16xf32>
        %parallel_loop3A_398 = arith.select %parallel_loop3A_396, %parallel_loop3A_383, %parallel_loop3A_380 : vector<16xi1>, vector<16xi32>
        %parallel_loop3A_399 = arith.cmpf ogt, %parallel_loop3A_388, %parallel_loop3A_385 : vector<16xf32>
        %parallel_loop3A_400 = arith.select %parallel_loop3A_399, %parallel_loop3A_388, %parallel_loop3A_385 : vector<16xi1>, vector<16xf32>
        %parallel_loop3A_401 = arith.select %parallel_loop3A_399, %parallel_loop3A_389, %parallel_loop3A_386 : vector<16xi1>, vector<16xi32>
        %parallel_loop3A_402 = arith.cmpf ogt, %parallel_loop3A_394, %parallel_loop3A_391 : vector<16xf32>
        %parallel_loop3A_403 = arith.select %parallel_loop3A_402, %parallel_loop3A_394, %parallel_loop3A_391 : vector<16xi1>, vector<16xf32>
        %parallel_loop3A_404 = arith.select %parallel_loop3A_402, %parallel_loop3A_395, %parallel_loop3A_392 : vector<16xi1>, vector<16xi32>
        %parallel_loop3A_405 = arith.cmpf ogt, %parallel_loop3A_400, %parallel_loop3A_397 : vector<16xf32>
        %parallel_loop3A_406 = arith.select %parallel_loop3A_405, %parallel_loop3A_400, %parallel_loop3A_397 : vector<16xi1>, vector<16xf32>
        %parallel_loop3A_407 = arith.select %parallel_loop3A_405, %parallel_loop3A_401, %parallel_loop3A_398 : vector<16xi1>, vector<16xi32>
        %parallel_loop3A_408 = arith.cmpf ogt, %parallel_loop3A_406, %parallel_loop3A_403 : vector<16xf32>
        %parallel_loop3A_409 = arith.select %parallel_loop3A_408, %parallel_loop3A_406, %parallel_loop3A_403 : vector<16xi1>, vector<16xf32>
        %parallel_loop3A_410 = arith.select %parallel_loop3A_408, %parallel_loop3A_407, %parallel_loop3A_404 : vector<16xi1>, vector<16xi32>
        %parallel_loop3A_411 = arith.constant 0 : i32
        %parallel_loop3A_412 = arith.addi %parallel_loop3A_265, %parallel_loop3A_411 : i32
        %parallel_loop3A_413 = arith.constant 16 : i32
        %parallel_loop3A_414 = arith.muli %parallel_loop3A_412, %parallel_loop3A_413 : i32
        %parallel_loop3A_415 = arith.index_cast %parallel_loop3A_414 : i32 to index
        %parallel_loop3A_416 = tpu.vector_load %arg7[%parallel_loop3A_415] {strides = array<i32>} : memref<16384xf32, #tpu.memory_space<vmem>>, vector<16xf32>,
        tpu.vector_store %arg7[%parallel_loop3A_415], %broadcast_in_dim3A_9 {strides = array<i32>} : memref<16384xf32, #tpu.memory_space<vmem>>, vector<16xf32>,
        %parallel_loop3A_417 = arith.constant 1 : i32
        %parallel_loop3A_418 = arith.addi %parallel_loop3A_265, %parallel_loop3A_417 : i32
        %parallel_loop3A_419 = arith.constant 16 : i32
        %parallel_loop3A_420 = arith.muli %parallel_loop3A_418, %parallel_loop3A_419 : i32
        %parallel_loop3A_421 = arith.index_cast %parallel_loop3A_420 : i32 to index
        %parallel_loop3A_422 = tpu.vector_load %arg7[%parallel_loop3A_421] {strides = array<i32>} : memref<16384xf32, #tpu.memory_space<vmem>>, vector<16xf32>,
        tpu.vector_store %arg7[%parallel_loop3A_421], %broadcast_in_dim3A_9 {strides = array<i32>} : memref<16384xf32, #tpu.memory_space<vmem>>, vector<16xf32>,
        %parallel_loop3A_423 = arith.constant 2 : i32
        %parallel_loop3A_424 = arith.addi %parallel_loop3A_265, %parallel_loop3A_423 : i32
        %parallel_loop3A_425 = arith.constant 16 : i32
        %parallel_loop3A_426 = arith.muli %parallel_loop3A_424, %parallel_loop3A_425 : i32
        %parallel_loop3A_427 = arith.index_cast %parallel_loop3A_426 : i32 to index
        %parallel_loop3A_428 = tpu.vector_load %arg7[%parallel_loop3A_427] {strides = array<i32>} : memref<16384xf32, #tpu.memory_space<vmem>>, vector<16xf32>,
        tpu.vector_store %arg7[%parallel_loop3A_427], %broadcast_in_dim3A_9 {strides = array<i32>} : memref<16384xf32, #tpu.memory_space<vmem>>, vector<16xf32>,
        %parallel_loop3A_429 = arith.constant 3 : i32
        %parallel_loop3A_430 = arith.addi %parallel_loop3A_265, %parallel_loop3A_429 : i32
        %parallel_loop3A_431 = arith.constant 16 : i32
        %parallel_loop3A_432 = arith.muli %parallel_loop3A_430, %parallel_loop3A_431 : i32
        %parallel_loop3A_433 = arith.index_cast %parallel_loop3A_432 : i32 to index
        %parallel_loop3A_434 = tpu.vector_load %arg7[%parallel_loop3A_433] {strides = array<i32>} : memref<16384xf32, #tpu.memory_space<vmem>>, vector<16xf32>,
        tpu.vector_store %arg7[%parallel_loop3A_433], %broadcast_in_dim3A_9 {strides = array<i32>} : memref<16384xf32, #tpu.memory_space<vmem>>, vector<16xf32>,
        %parallel_loop3A_435 = arith.constant 4 : i32
        %parallel_loop3A_436 = arith.addi %parallel_loop3A_265, %parallel_loop3A_435 : i32
        %parallel_loop3A_437 = arith.constant 16 : i32
        %parallel_loop3A_438 = arith.muli %parallel_loop3A_436, %parallel_loop3A_437 : i32
        %parallel_loop3A_439 = arith.index_cast %parallel_loop3A_438 : i32 to index
        %parallel_loop3A_440 = tpu.vector_load %arg7[%parallel_loop3A_439] {strides = array<i32>} : memref<16384xf32, #tpu.memory_space<vmem>>, vector<16xf32>,
        tpu.vector_store %arg7[%parallel_loop3A_439], %broadcast_in_dim3A_9 {strides = array<i32>} : memref<16384xf32, #tpu.memory_space<vmem>>, vector<16xf32>,
        %parallel_loop3A_441 = arith.constant 5 : i32
        %parallel_loop3A_442 = arith.addi %parallel_loop3A_265, %parallel_loop3A_441 : i32
        %parallel_loop3A_443 = arith.constant 16 : i32
        %parallel_loop3A_444 = arith.muli %parallel_loop3A_442, %parallel_loop3A_443 : i32
        %parallel_loop3A_445 = arith.index_cast %parallel_loop3A_444 : i32 to index
        %parallel_loop3A_446 = tpu.vector_load %arg7[%parallel_loop3A_445] {strides = array<i32>} : memref<16384xf32, #tpu.memory_space<vmem>>, vector<16xf32>,
        tpu.vector_store %arg7[%parallel_loop3A_445], %broadcast_in_dim3A_9 {strides = array<i32>} : memref<16384xf32, #tpu.memory_space<vmem>>, vector<16xf32>,
        %parallel_loop3A_447 = arith.constant 6 : i32
        %parallel_loop3A_448 = arith.addi %parallel_loop3A_265, %parallel_loop3A_447 : i32
        %parallel_loop3A_449 = arith.constant 16 : i32
        %parallel_loop3A_450 = arith.muli %parallel_loop3A_448, %parallel_loop3A_449 : i32
        %parallel_loop3A_451 = arith.index_cast %parallel_loop3A_450 : i32 to index
        %parallel_loop3A_452 = tpu.vector_load %arg7[%parallel_loop3A_451] {strides = array<i32>} : memref<16384xf32, #tpu.memory_space<vmem>>, vector<16xf32>,
        tpu.vector_store %arg7[%parallel_loop3A_451], %broadcast_in_dim3A_9 {strides = array<i32>} : memref<16384xf32, #tpu.memory_space<vmem>>, vector<16xf32>,
        %parallel_loop3A_453 = arith.constant 7 : i32
        %parallel_loop3A_454 = arith.addi %parallel_loop3A_265, %parallel_loop3A_453 : i32
        %parallel_loop3A_455 = arith.constant 16 : i32
        %parallel_loop3A_456 = arith.muli %parallel_loop3A_454, %parallel_loop3A_455 : i32
        %parallel_loop3A_457 = arith.index_cast %parallel_loop3A_456 : i32 to index
        %parallel_loop3A_458 = tpu.vector_load %arg7[%parallel_loop3A_457] {strides = array<i32>} : memref<16384xf32, #tpu.memory_space<vmem>>, vector<16xf32>,
        tpu.vector_store %arg7[%parallel_loop3A_457], %broadcast_in_dim3A_9 {strides = array<i32>} : memref<16384xf32, #tpu.memory_space<vmem>>, vector<16xf32>,
        %parallel_loop3A_459 = arith.constant 8 : i32
        %parallel_loop3A_460 = arith.addi %parallel_loop3A_265, %parallel_loop3A_459 : i32
        %parallel_loop3A_461 = arith.constant 16 : i32
        %parallel_loop3A_462 = arith.muli %parallel_loop3A_460, %parallel_loop3A_461 : i32
        %parallel_loop3A_463 = arith.index_cast %parallel_loop3A_462 : i32 to index
        %parallel_loop3A_464 = tpu.vector_load %arg7[%parallel_loop3A_463] {strides = array<i32>} : memref<16384xf32, #tpu.memory_space<vmem>>, vector<16xf32>,
        tpu.vector_store %arg7[%parallel_loop3A_463], %broadcast_in_dim3A_9 {strides = array<i32>} : memref<16384xf32, #tpu.memory_space<vmem>>, vector<16xf32>,
        %parallel_loop3A_465 = arith.constant 9 : i32
        %parallel_loop3A_466 = arith.addi %parallel_loop3A_265, %parallel_loop3A_465 : i32
        %parallel_loop3A_467 = arith.constant 16 : i32
        %parallel_loop3A_468 = arith.muli %parallel_loop3A_466, %parallel_loop3A_467 : i32
        %parallel_loop3A_469 = arith.index_cast %parallel_loop3A_468 : i32 to index
        %parallel_loop3A_470 = tpu.vector_load %arg7[%parallel_loop3A_469] {strides = array<i32>} : memref<16384xf32, #tpu.memory_space<vmem>>, vector<16xf32>,
        tpu.vector_store %arg7[%parallel_loop3A_469], %broadcast_in_dim3A_9 {strides = array<i32>} : memref<16384xf32, #tpu.memory_space<vmem>>, vector<16xf32>,
        %parallel_loop3A_471 = arith.constant 10 : i32
        %parallel_loop3A_472 = arith.addi %parallel_loop3A_265, %parallel_loop3A_471 : i32
        %parallel_loop3A_473 = arith.constant 16 : i32
        %parallel_loop3A_474 = arith.muli %parallel_loop3A_472, %parallel_loop3A_473 : i32
        %parallel_loop3A_475 = arith.index_cast %parallel_loop3A_474 : i32 to index
        %parallel_loop3A_476 = tpu.vector_load %arg7[%parallel_loop3A_475] {strides = array<i32>} : memref<16384xf32, #tpu.memory_space<vmem>>, vector<16xf32>,
        tpu.vector_store %arg7[%parallel_loop3A_475], %broadcast_in_dim3A_9 {strides = array<i32>} : memref<16384xf32, #tpu.memory_space<vmem>>, vector<16xf32>,
        %parallel_loop3A_477 = arith.constant 11 : i32
        %parallel_loop3A_478 = arith.addi %parallel_loop3A_265, %parallel_loop3A_477 : i32
        %parallel_loop3A_479 = arith.constant 16 : i32
        %parallel_loop3A_480 = arith.muli %parallel_loop3A_478, %parallel_loop3A_479 : i32
        %parallel_loop3A_481 = arith.index_cast %parallel_loop3A_480 : i32 to index
        %parallel_loop3A_482 = tpu.vector_load %arg7[%parallel_loop3A_481] {strides = array<i32>} : memref<16384xf32, #tpu.memory_space<vmem>>, vector<16xf32>,
        tpu.vector_store %arg7[%parallel_loop3A_481], %broadcast_in_dim3A_9 {strides = array<i32>} : memref<16384xf32, #tpu.memory_space<vmem>>, vector<16xf32>,
        %parallel_loop3A_483 = arith.constant 12 : i32
        %parallel_loop3A_484 = arith.addi %parallel_loop3A_265, %parallel_loop3A_483 : i32
        %parallel_loop3A_485 = arith.constant 16 : i32
        %parallel_loop3A_486 = arith.muli %parallel_loop3A_484, %parallel_loop3A_485 : i32
        %parallel_loop3A_487 = arith.index_cast %parallel_loop3A_486 : i32 to index
        %parallel_loop3A_488 = tpu.vector_load %arg7[%parallel_loop3A_487] {strides = array<i32>} : memref<16384xf32, #tpu.memory_space<vmem>>, vector<16xf32>,
        tpu.vector_store %arg7[%parallel_loop3A_487], %broadcast_in_dim3A_9 {strides = array<i32>} : memref<16384xf32, #tpu.memory_space<vmem>>, vector<16xf32>,
        %parallel_loop3A_489 = arith.constant 13 : i32
        %parallel_loop3A_490 = arith.addi %parallel_loop3A_265, %parallel_loop3A_489 : i32
        %parallel_loop3A_491 = arith.constant 16 : i32
        %parallel_loop3A_492 = arith.muli %parallel_loop3A_490, %parallel_loop3A_491 : i32
        %parallel_loop3A_493 = arith.index_cast %parallel_loop3A_492 : i32 to index
        %parallel_loop3A_494 = tpu.vector_load %arg7[%parallel_loop3A_493] {strides = array<i32>} : memref<16384xf32, #tpu.memory_space<vmem>>, vector<16xf32>,
        tpu.vector_store %arg7[%parallel_loop3A_493], %broadcast_in_dim3A_9 {strides = array<i32>} : memref<16384xf32, #tpu.memory_space<vmem>>, vector<16xf32>,
        %parallel_loop3A_495 = arith.constant 14 : i32
        %parallel_loop3A_496 = arith.addi %parallel_loop3A_265, %parallel_loop3A_495 : i32
        %parallel_loop3A_497 = arith.constant 16 : i32
        %parallel_loop3A_498 = arith.muli %parallel_loop3A_496, %parallel_loop3A_497 : i32
        %parallel_loop3A_499 = arith.index_cast %parallel_loop3A_498 : i32 to index
        %parallel_loop3A_500 = tpu.vector_load %arg7[%parallel_loop3A_499] {strides = array<i32>} : memref<16384xf32, #tpu.memory_space<vmem>>, vector<16xf32>,
        tpu.vector_store %arg7[%parallel_loop3A_499], %broadcast_in_dim3A_9 {strides = array<i32>} : memref<16384xf32, #tpu.memory_space<vmem>>, vector<16xf32>,
        %parallel_loop3A_501 = arith.constant 15 : i32
        %parallel_loop3A_502 = arith.addi %parallel_loop3A_265, %parallel_loop3A_501 : i32
        %parallel_loop3A_503 = arith.constant 16 : i32
        %parallel_loop3A_504 = arith.muli %parallel_loop3A_502, %parallel_loop3A_503 : i32
        %parallel_loop3A_505 = arith.index_cast %parallel_loop3A_504 : i32 to index
        %parallel_loop3A_506 = tpu.vector_load %arg7[%parallel_loop3A_505] {strides = array<i32>} : memref<16384xf32, #tpu.memory_space<vmem>>, vector<16xf32>,
        tpu.vector_store %arg7[%parallel_loop3A_505], %broadcast_in_dim3A_9 {strides = array<i32>} : memref<16384xf32, #tpu.memory_space<vmem>>, vector<16xf32>,
        %parallel_loop3A_507 = arith.constant 16 : i32
        %parallel_loop3A_508 = arith.muli %parallel_loop3A_265, %parallel_loop3A_507 : i32
        %parallel_loop3A_509 = vector.broadcast %parallel_loop3A_508 : i32 to vector<16xi32>
        %parallel_loop3A_510 = arith.addi %parallel_loop3A_509, %mul3A_8 : vector<16xi32>
        %parallel_loop3A_511 = arith.addi %parallel_loop3A_510, %parallel_loop3A_410 : vector<16xi32>
        %parallel_loop3A_512 = vector.broadcast %mul3A_203 : i32 to vector<16xi32>
        %parallel_loop3A_513 = arith.addi %parallel_loop3A_511, %parallel_loop3A_512 : vector<16xi32>
        %parallel_loop3A_514 = tpu.vector_load_idx %arg5[%parallel_loop3A_513] : memref<17408xf32, #tpu.memory_space<vmem>>[vector<16xi32>], vector<16xf32>,
        tpu.vector_store_idx %arg7[%parallel_loop3A_511], %parallel_loop3A_514 : memref<16384xf32, #tpu.memory_space<vmem>>[vector<16xi32>], vector<16xf32>,
      } {sc.loop_unroll_factor = 1 : i64, sc.parallel_access}
      %jit3A_207 = arith.constant 2 : i32
      %div3A_208 = arith.divsi %add3A_148, %jit3A_207 : i32
      %sign3A_209 = arith.constant 0 : i32
      %sign3A_210 = arith.cmpi sgt, %add3A_148, %sign3A_209 : i32
      %sign3A_211 = arith.extui %sign3A_210 : i1 to i32
      %sign3A_212 = arith.constant 0 : i32
      %sign3A_213 = arith.cmpi slt, %add3A_148, %sign3A_212 : i32
      %sign3A_214 = arith.extui %sign3A_213 : i1 to i32
      %sign3A_215 = arith.subi %sign3A_211, %sign3A_214 : i32
      %sign3A_216 = arith.constant 0 : i32
      %sign3A_217 = arith.cmpi sgt, %jit3A_207, %sign3A_216 : i32
      %sign3A_218 = arith.extui %sign3A_217 : i1 to i32
      %sign3A_219 = arith.constant 0 : i32
      %sign3A_220 = arith.cmpi slt, %jit3A_207, %sign3A_219 : i32
      %sign3A_221 = arith.extui %sign3A_220 : i1 to i32
      %sign3A_222 = arith.subi %sign3A_218, %sign3A_221 : i32
      %ne3A_223 = arith.cmpi ne, %sign3A_215, %sign3A_222 : i32
      %rem3A_224 = arith.remsi %add3A_148, %jit3A_207 : i32
      %ne3A_225 = arith.constant 0 : i32
      %ne3A_226 = arith.cmpi ne, %rem3A_224, %ne3A_225 : i32
      %and3A_227 = arith.andi %ne3A_223, %ne3A_226 : i1
      %sub3A_228 = arith.constant 1 : i32
      %sub3A_229 = arith.subi %div3A_208, %sub3A_228 : i32
      %select_n3A_230 = arith.select %and3A_227, %sub3A_229, %div3A_208 : i32
      %add3A_231 = arith.addi %mul3A_2, %select_n3A_230 : i32
      %jit3A_232 = arith.constant 2 : i32
      %eq3A_233 = arith.constant 0 : i32
      %eq3A_234 = arith.cmpi eq, %jit3A_232, %eq3A_233 : i32
      %jit3A_235 = arith.constant 1 : i32
      %select_n3A_236 = arith.select %eq3A_234, %jit3A_235, %jit3A_232 : i32
      %rem3A_237 = arith.remsi %add3A_148, %select_n3A_236 : i32
      %ne3A_238 = arith.constant 0 : i32
      %ne3A_239 = arith.cmpi ne, %rem3A_237, %ne3A_238 : i32
      %lt3A_240 = arith.constant 0 : i32
      %lt3A_241 = arith.cmpi slt, %rem3A_237, %lt3A_240 : i32
      %lt3A_242 = arith.constant 0 : i32
      %lt3A_243 = arith.cmpi slt, %select_n3A_236, %lt3A_242 : i32
      %ne3A_244 = arith.xori %lt3A_241, %lt3A_243 : i1
      %and3A_245 = arith.andi %ne3A_244, %ne3A_239 : i1
      %add3A_246 = arith.addi %rem3A_237, %select_n3A_236 : i32
      %select_n3A_247 = arith.select %and3A_245, %add3A_246, %rem3A_237 : i32
      %mul3A_248 = arith.constant 1024 : i32
      %mul3A_249 = arith.muli %select_n3A_247, %mul3A_248 : i32
      %mul3A_250 = arith.constant 16 : i32
      %mul3A_251 = arith.muli %mul3A_249, %mul3A_250 : i32
      %dma_start3A_252 = tpu.memref_slice %arg3[%add3A_231, %mul3A_251] : memref<128x32768xf32, #tpu.memory_space<hbm>> -> memref<1x16384xf32, #tpu.memory_space<hbm>>
      %dma_start3A_253 = tpu.memref_squeeze %dma_start3A_252 : memref<1x16384xf32, #tpu.memory_space<hbm>> -> memref<16384xf32, #tpu.memory_space<hbm>>
      %dma_start3A_254 = tpu.memref_slice %arg3[%add3A_231, %mul3A_251] : memref<128x32768xf32, #tpu.memory_space<hbm>> -> memref<1x16384xf32, #tpu.memory_space<hbm>>
      %dma_start3A_255 = tpu.memref_squeeze %dma_start3A_254 : memref<1x16384xf32, #tpu.memory_space<hbm>> -> memref<16384xf32, #tpu.memory_space<hbm>>
      tpu.enqueue_dma source(%arg7 : memref<16384xf32, #tpu.memory_space<vmem>>) target(%dma_start3A_255 : memref<16384xf32, #tpu.memory_space<hbm>>) target_semaphore(%arg11 : memref<!tpu.dma_semaphore, #tpu.memory_space<semaphore_mem>>)
      %add3A_256 = arith.constant 2 : i32
      %add3A_257 = arith.addi %add3A_148, %add3A_256 : i32
      %lt3A_258 = arith.constant 8 : i32
      %lt3A_259 = arith.cmpi slt, %add3A_257, %lt3A_258 : i32
      %convert_element_type3A_260 = arith.extui %lt3A_259 : i1 to i32
      %cond3A_261 = arith.constant 0 : i32
      %cond3A_262 = arith.cmpi ne, %convert_element_type3A_260, %cond3A_261 : i32
      scf.if %cond3A_262 {
        %add3A_263 = arith.constant 2 : i32
        %add3A_264 = arith.addi %add3A_148, %add3A_263 : i32
        %jit3A_265 = arith.constant 2 : i32
        %div3A_266 = arith.divsi %add3A_264, %jit3A_265 : i32
        %sign3A_267 = arith.constant 0 : i32
        %sign3A_268 = arith.cmpi sgt, %add3A_264, %sign3A_267 : i32
        %sign3A_269 = arith.extui %sign3A_268 : i1 to i32
        %sign3A_270 = arith.constant 0 : i32
        %sign3A_271 = arith.cmpi slt, %add3A_264, %sign3A_270 : i32
        %sign3A_272 = arith.extui %sign3A_271 : i1 to i32
        %sign3A_273 = arith.subi %sign3A_269, %sign3A_272 : i32
        %sign3A_274 = arith.constant 0 : i32
        %sign3A_275 = arith.cmpi sgt, %jit3A_265, %sign3A_274 : i32
        %sign3A_276 = arith.extui %sign3A_275 : i1 to i32
        %sign3A_277 = arith.constant 0 : i32
        %sign3A_278 = arith.cmpi slt, %jit3A_265, %sign3A_277 : i32
        %sign3A_279 = arith.extui %sign3A_278 : i1 to i32
        %sign3A_280 = arith.subi %sign3A_276, %sign3A_279 : i32
        %ne3A_281 = arith.cmpi ne, %sign3A_273, %sign3A_280 : i32
        %rem3A_282 = arith.remsi %add3A_264, %jit3A_265 : i32
        %ne3A_283 = arith.constant 0 : i32
        %ne3A_284 = arith.cmpi ne, %rem3A_282, %ne3A_283 : i32
        %and3A_285 = arith.andi %ne3A_281, %ne3A_284 : i1
        %sub3A_286 = arith.constant 1 : i32
        %sub3A_287 = arith.subi %div3A_266, %sub3A_286 : i32
        %select_n3A_288 = arith.select %and3A_285, %sub3A_287, %div3A_266 : i32
        %add3A_289 = arith.addi %mul3A_2, %select_n3A_288 : i32
        %jit3A_290 = arith.constant 2 : i32
        %eq3A_291 = arith.constant 0 : i32
        %eq3A_292 = arith.cmpi eq, %jit3A_290, %eq3A_291 : i32
        %jit3A_293 = arith.constant 1 : i32
        %select_n3A_294 = arith.select %eq3A_292, %jit3A_293, %jit3A_290 : i32
        %rem3A_295 = arith.remsi %add3A_264, %select_n3A_294 : i32
        %ne3A_296 = arith.constant 0 : i32
        %ne3A_297 = arith.cmpi ne, %rem3A_295, %ne3A_296 : i32
        %lt3A_298 = arith.constant 0 : i32
        %lt3A_299 = arith.cmpi slt, %rem3A_295, %lt3A_298 : i32
        %lt3A_300 = arith.constant 0 : i32
        %lt3A_301 = arith.cmpi slt, %select_n3A_294, %lt3A_300 : i32
        %ne3A_302 = arith.xori %lt3A_299, %lt3A_301 : i1
        %and3A_303 = arith.andi %ne3A_302, %ne3A_297 : i1
        %add3A_304 = arith.addi %rem3A_295, %select_n3A_294 : i32
        %select_n3A_305 = arith.select %and3A_303, %add3A_304, %rem3A_295 : i32
        %mul3A_306 = arith.constant 1024 : i32
        %mul3A_307 = arith.muli %select_n3A_305, %mul3A_306 : i32
        %mul3A_308 = arith.constant 15 : i32
        %mul3A_309 = arith.muli %mul3A_307, %mul3A_308 : i32
        %dma_start3A_310 = tpu.memref_slice %arg2[%add3A_289, %mul3A_309] : memref<128x32768xf32, #tpu.memory_space<hbm>> -> memref<1x17408xf32, #tpu.memory_space<hbm>>
        %dma_start3A_311 = tpu.memref_squeeze %dma_start3A_310 : memref<1x17408xf32, #tpu.memory_space<hbm>> -> memref<17408xf32, #tpu.memory_space<hbm>>
        %dma_start3A_312 = tpu.memref_slice %arg2[%add3A_289, %mul3A_309] : memref<128x32768xf32, #tpu.memory_space<hbm>> -> memref<1x17408xf32, #tpu.memory_space<hbm>>
        %dma_start3A_313 = tpu.memref_squeeze %dma_start3A_312 : memref<1x17408xf32, #tpu.memory_space<hbm>> -> memref<17408xf32, #tpu.memory_space<hbm>>
        tpu.enqueue_dma source(%dma_start3A_313 : memref<17408xf32, #tpu.memory_space<hbm>>) target(%arg5 : memref<17408xf32, #tpu.memory_space<vmem>>) target_semaphore(%arg9 : memref<!tpu.dma_semaphore, #tpu.memory_space<semaphore_mem>>)
      } else {
      }
    }
    %scan3A_28 = arith.constant 4 : i32
    %dma_wait3A = arith.constant 0 : i32
    %dma_wait3A_29 = arith.constant 0 : i32
    %dma_wait3A_30 = tpu.memref_slice %arg3[%dma_wait3A, %dma_wait3A_29] : memref<128x32768xf32, #tpu.memory_space<hbm>> -> memref<1x16384xf32, #tpu.memory_space<hbm>>
    %dma_wait3A_31 = tpu.memref_squeeze %dma_wait3A_30 : memref<1x16384xf32, #tpu.memory_space<hbm>> -> memref<16384xf32, #tpu.memory_space<hbm>>
    %dma_wait3A_32 = arith.constant 0 : i32
    %dma_wait3A_33 = tpu.memref_slice %arg3[%dma_wait3A, %dma_wait3A_32] : memref<128x32768xf32, #tpu.memory_space<hbm>> -> memref<1x16384xf32, #tpu.memory_space<hbm>>
    %dma_wait3A_34 = tpu.memref_squeeze %dma_wait3A_33 : memref<1x16384xf32, #tpu.memory_space<hbm>> -> memref<16384xf32, #tpu.memory_space<hbm>>
    tpu.wait_dma2 semaphore(%arg10 : memref<!tpu.dma_semaphore, #tpu.memory_space<semaphore_mem>>) src(%arg6 : memref<16384xf32, #tpu.memory_space<vmem>>) dst(%dma_wait3A_34 : memref<16384xf32, #tpu.memory_space<hbm>>)
    %dma_wait3A_35 = arith.constant 0 : i32
    %dma_wait3A_36 = arith.constant 0 : i32
    %dma_wait3A_37 = tpu.memref_slice %arg3[%dma_wait3A_35, %dma_wait3A_36] : memref<128x32768xf32, #tpu.memory_space<hbm>> -> memref<1x16384xf32, #tpu.memory_space<hbm>>
    %dma_wait3A_38 = tpu.memref_squeeze %dma_wait3A_37 : memref<1x16384xf32, #tpu.memory_space<hbm>> -> memref<16384xf32, #tpu.memory_space<hbm>>
    %dma_wait3A_39 = arith.constant 0 : i32
    %dma_wait3A_40 = tpu.memref_slice %arg3[%dma_wait3A_35, %dma_wait3A_39] : memref<128x32768xf32, #tpu.memory_space<hbm>> -> memref<1x16384xf32, #tpu.memory_space<hbm>>
    %dma_wait3A_41 = tpu.memref_squeeze %dma_wait3A_40 : memref<1x16384xf32, #tpu.memory_space<hbm>> -> memref<16384xf32, #tpu.memory_space<hbm>>
    tpu.wait_dma2 semaphore(%arg11 : memref<!tpu.dma_semaphore, #tpu.memory_space<semaphore_mem>>) src(%arg7 : memref<16384xf32, #tpu.memory_space<vmem>>) dst(%dma_wait3A_41 : memref<16384xf32, #tpu.memory_space<hbm>>)
    return
  }
}

</mosaic_0001>

<sc_bundles>
// kernel: kernel.3.cloned.1.call-start
scs
__scs_entry_jumppad:
0x0: {  	(pc) =	sbr.rel $0x88, $3  }
0x1: {  	(tag) =	ssettag $0x0;
	lr =	simm.s32 $0x1  }
0x2: {  	[smem:$0x3FA0] =	sst lr;
	_ =	strace $0xD0000000  }
0x3: {  	_ = 	snop  }
0x4: {  	_ = 	snop  }
0x5: {  	_ = 	snop  }
0x6: {  	_ = 	snop  }
0x7: {  	_ = 	snop  }
__scs_overlays_trampoline_lowered:
0x8: {  	[smem:$0x3FAF] =	sst s0  }
0x9: {  	[smem:$0x3FB0] =	sst s1  }
0xa: {  	[smem:$0x3FB1] =	sst s2  }
0xb: {  	[smem:$0x3FB2] =	sst s3  }
0xc: {  	[smem:$0x3FB3] =	sst s4  }
0xd: {  	[smem:$0x3FB4] =	sst s5  }
0xe: {  	[smem:$0x3FB5] =	sst s6  }
0xf: {  	[smem:$0x3FB6] =	sst s7  }
0x10: {  	[smem:$0x3FB7] =	sst s8  }
0x11: {  	[smem:$0x3FB8] =	sst s9;
	s0 =	simm.s32 @!p0 $0x0  }
0x12: {  	s1 =	sld [smem:$0x3F9E];
	s0 =	simm.s32 @p0 $0x1  }
0x13: {  	[smem:$0x3FB9] =	sst s0;
	s0 =	simm.s32 @!p1 $0x0  }
0x14: {  	s2 =	sld [smem:$0x3F9D];
	s0 =	simm.s32 @p1 $0x1  }
0x15: {  	[smem:$0x3FBA] =	sst s0;
	s0 =	simm.s32 @!p2 $0x0  }
0x16: {  	s3 =	sld [smem:$0x3FDB];
	s0 =	simm.s32 @p2 $0x1  }
0x17: {  	s4 =	simm.s32 $0x1BF5;
	[smem:$0x3FBC] =	sst s0  }
0x18: {  	s0 =	sld [smem:$0x3F9F];
	_ =	swait.ge [sflag:s4], $0x0  }
0x19: {  	s7 =	sld [smem:$0x3FA0]  }
0x1a: {  	s8 =	sadd.s32 $0xFFFFE003, lr  }
0x1b: {  	s9 =	sadd.s32 $0xFFFFFEF7, lr;
	s5 =	simm.s32 $0xFFFFFFFF;
	p2 =	slt.u32 s8, $0xFFFFF086  }
0x1c: {  	p1 =	slt.u32 s9, $0xF7A;
	s5 =	simm.s32 @!p2 $0x0  }
0x1d: {  	s5 =	simm.s32 @p1 $0x1;
	p0 =	seq.s32 s7, s2  }
0x1e: {  	s7 =	smul.u32 @!p0 $0xF7A, s2;
	p2 =	seq.s32 @!p0 s5, $0x0  }
0x1f: {  	s9 =	smul.u32 $0xF7A, s1;
	s8 =	simm.s32 @!p0 $0x1BF5;
	p2 =	por !p2, p0  }
0x20: {  	[sflag:s8] =	ssyncset.s32 @!p0 $0xFFFFF086;
	s6 =	sadd.s32 @!p0 s3, s7;
	s7 =	simm.s32 @!p0 $0x108  }
0x21: {  	s3 =	sadd.s32 s3, s9;
	s6 =	sadd.s32 @!p0 $0x88, s6;
	s7 =	simm.s32 @p2 $0x1082  }
0x22: {  	[simem:s7], [sflag:s8] =	dma.local @!p0 [hbm:s6], $0xF7A  }
0x23: {  	s9 =	sor.u32 $0xD0000000, s2;
	s6 =	simm.s32 $0x108;
	_ =	swait.ge @!p0 [sflag:s8], $0x0  }
0x24: {  	s3 =	sadd.s32 $0x88, s3;
	s6 =	simm.s32 @!p1 $0x1082;
	[sflag:s4] =	ssyncset.s32 $0xFFFFF086  }
0x25: {  	[simem:s6], [sflag:s4] =	dma.local [hbm:s3], $0xF7A  }
0x26: {  	[smem:$0x3FA0] =	sst s1;
	(tag) =	ssettag s2;
	_ =	strace s9  }
0x27: {  	s1 =	sld [smem:$0x3FB0]  }
0x28: {  	s2 =	sld [smem:$0x3FB1]  }
0x29: {  	s4 =	sld [smem:$0x3FB3]  }
0x2a: {  	p0 =	seq.s32 s5, $0x0;
	s5 =	sld [smem:$0x3FB4]  }
0x2b: {  	s6 =	sld [smem:$0x3FB5]  }
0x2c: {  	s7 =	sld [smem:$0x3FB6]  }
0x2d: {  	s3 =	simm.s32 $0x108;
	s8 =	sld [smem:$0x3FB7]  }
0x2e: {  	s3 =	simm.s32 @!p0 $0x1082;
	s9 =	sld [smem:$0x3FB8]  }
0x2f: {  	lr =	sadd.s32 s0, s3;
	s0 =	sld [smem:$0x3FAF]  }
0x30: {  	s3 =	sld [smem:$0x3FB2]  }
0x31: {  	[smem:$0x3FBB] =	sst s10  }
0x32: {  	s10 =	sld [smem:$0x3FB9];
	_ =	sdelay $0x3  }
0x33: {  	p0 =	seq.s32 s10, $0x1;
	s10 =	sld [smem:$0x3FBB];
	_ =	sdelay $0x3  }
0x34: {  	[smem:$0x3FBB] =	sst s10  }
0x35: {  	s10 =	sld [smem:$0x3FBA];
	_ =	sdelay $0x3  }
0x36: {  	p1 =	seq.s32 s10, $0x1;
	s10 =	sld [smem:$0x3FBB];
	_ =	sdelay $0x3  }
0x37: {  	[smem:$0x3FBB] =	sst s10  }
0x38: {  	s10 =	sld [smem:$0x3FBC]  }
0x39: {  	_ = 	snop;
	(pc) =	sbr.ind lr, $3  }
0x3a: {  	_ = 	snop  }
0x3b: {  	_ = 	snop  }
0x3c: {  	p2 =	seq.s32 s10, $0x1;
	s10 =	sld [smem:$0x3FBB]  }
0x3d: {  	_ =	shalt  }
0x3e: {  	_ =	shalt  }
0x3f: {  	_ =	shalt  }
0x40: {  	_ =	shalt  }
0x41: {  	_ =	shalt  }
0x42: {  	_ =	shalt  }
0x43: {  	_ =	shalt  }
0x44: {  	_ =	shalt  }
0x45: {  	_ =	shalt  }
0x46: {  	_ =	shalt  }
0x47: {  	_ =	shalt  }
0x48: {  	_ =	shalt  }
0x49: {  	_ =	shalt  }
0x4a: {  	_ =	shalt  }
0x4b: {  	_ =	shalt  }
0x4c: {  	_ =	shalt  }
0x4d: {  	_ =	shalt  }
0x4e: {  	_ =	shalt  }
0x4f: {  	_ =	shalt  }
0x50: {  	_ =	shalt  }
0x51: {  	_ =	shalt  }
0x52: {  	_ =	shalt  }
0x53: {  	_ =	shalt  }
0x54: {  	_ =	shalt  }
0x55: {  	_ =	shalt  }
0x56: {  	_ =	shalt  }
0x57: {  	_ =	shalt  }
0x58: {  	_ =	shalt  }
0x59: {  	_ =	shalt  }
0x5a: {  	_ =	shalt  }
0x5b: {  	_ =	shalt  }
0x5c: {  	_ =	shalt  }
0x5d: {  	_ =	shalt  }
0x5e: {  	_ =	shalt  }
0x5f: {  	_ =	shalt  }
0x60: {  	_ =	shalt  }
0x61: {  	_ =	shalt  }
0x62: {  	_ =	shalt  }
0x63: {  	_ =	shalt  }
0x64: {  	_ =	shalt  }
0x65: {  	_ =	shalt  }
0x66: {  	_ =	shalt  }
0x67: {  	_ =	shalt  }
0x68: {  	_ =	shalt  }
0x69: {  	_ =	shalt  }
0x6a: {  	_ =	shalt  }
0x6b: {  	_ =	shalt  }
0x6c: {  	_ =	shalt  }
0x6d: {  	_ =	shalt  }
0x6e: {  	_ =	shalt  }
0x6f: {  	_ =	shalt  }
0x70: {  	_ =	shalt  }
0x71: {  	_ =	shalt  }
0x72: {  	_ =	shalt  }
0x73: {  	_ =	shalt  }
0x74: {  	_ =	shalt  }
0x75: {  	_ =	shalt  }
0x76: {  	_ =	shalt  }
0x77: {  	_ =	shalt  }
0x78: {  	_ =	shalt  }
0x79: {  	_ =	shalt  }
0x7a: {  	_ =	shalt  }
0x7b: {  	_ =	shalt  }
0x7c: {  	_ =	shalt  }
0x7d: {  	_ =	shalt  }
0x7e: {  	_ =	shalt  }
0x7f: {  	_ =	shalt  }
0x80: {  	_ =	shalt  }
0x81: {  	_ =	shalt  }
0x82: {  	_ =	shalt  }
0x83: {  	_ =	shalt  }
0x84: {  	_ =	shalt  }
0x85: {  	_ =	shalt  }
0x86: {  	_ =	shalt  }
0x87: {  	_ =	shalt  }
.Lfunc_end0:
.L_simem_size_0:
called_computation_lowered:
.L_overlay_start_0:
0x88: {  	s2 =	sld [smem:$0x3FD9]  }
0x89: {  	s3 =	sld [smem:$0x3FFE];
	_ =	sdelay $0x1  }
0x8a: {  	s1 =	srdreg.scid  }
0x8b: {  	s0 =	sand.u32 $0x1, s1  }
0x8c: {  	s18 =	sshll.u32 s0, $0xA;
	s2 =	sadd.s32 s3, s2  }
0x8d: {  	s2 =	sadd.s32 s2, s18  }
0x8e: {  	[smem:$0x3FC7] =	sst s2  }
0x8f: {  	_ = 	snop  }
0x90: {  	s2 =	sld [smem:$0x3FC9]  }
0x91: {  	s19 =	sld [smem:$0x3FD0];
	(tm) =	ssettm $0x1  }
0x92: {  	s4 =	sld [smem:$0x3FFB];
	_ =	sdelay $0x3  }
0x93: {  	_ =	strace s4  }
0x94: {  	s4 =	sld [smem:$0x3FFC];
	_ =	sdelay $0x3  }
0x95: {  	_ =	strace s4  }
0x96: {  	s4 =	sld [smem:$0x3FFD];
	_ =	sdelay $0x3  }
0x97: {  	_ =	strace s4  }
0x98: {  	_ =	strace $0x8FFFFFFF  }
0x99: {  	s20 =	sld [smem:$0x3FDB];
	_ =	sdelay $0x1  }
0x9a: {  	s5 =	simm.s32 $_scs_section_size  }
0x9b: {  	s6 =	simm.s32 $_size__tile_overlayer_lowered;
	s7 =	simm.s32 $_tile_overlayer_lowered  }
0x9c: {  	s23 =	simm.s32 $0x1BFF;
	s22 =	sshll.u32 s7, $0x1;
	s4 =	sadd.s32 s5, s20  }
0x9d: {  	s8 =	simm.s32 $0x0;
	s21 =	sshll.u32 s6, $0x1;
	s6 =	sadd.s32 s22, s4  }
0x9e: {  	[timem:s8], [sflag:s23] =	dma.local [hbm:s6], s21  }
0x9f: {  	_ =	swait.ge [sflag:s23], s21  }
0xa0: {  	s5 =	ssub.s32 $0x0, s21;
	[sflag:s23] =	ssyncset.done $0x0  }
0xa1: {  	[sflag:s23] =	ssyncadd.s32 s5;
	_ =	sdelay $0x1  }
0xa2: {  	s24 =	simm.s32 $0x1B8B  }
0xa3: {  	_ =	swait.ge [sflag:s24], $0x1  }
0xa4: {  	[sflag:s24] =	ssyncset.done $0x0  }
0xa5: {  	s25 =	simm.s32 $0x1B8E;
	[sflag:s24] =	ssyncadd.s32 $0xFFFFFFFF  }
0xa6: {  	s26 =	simm.s32 $execute0_lowered;
	[smem:$0x3FD2] =	sst s25  }
0xa7: {  	s5 =	sshll.u32 s26, $0x1;
	_ =	strace $0x80000046;
	[dreg:$0x1] =	wrdreg $0xFFFFFFFF  }
0xa8: {  	s28 =	simm.s32 $_size_execute0_lowered;
	s4 =	sadd.s32 s4, s5;
	[dreg:$0x0] =	wrdreg $0x0  }
0xa9: {  	s5 =	sshll.u32 s28, $0x1;
	[dreg:$0x2] =	wrdreg s4  }
0xaa: {  	[dreg:$0x3] =	wrdreg s5  }
0xab: {  	[dreg:$0x4] =	wrdreg $0xC0  }
0xac: {  	_ =	task [dreg:s8], $0x5FFFF  }
0xad: {  	[dreg:$0x1] =	wrdreg $0xFFFFFFFF  }
0xae: {  	[dreg:$0x0] =	wrdreg $0x60  }
0xaf: {  	[dreg:$0x2] =	wrdreg s2  }
0xb0: {  	[dreg:$0x3] =	wrdreg s19  }
0xb1: {  	[dreg:$0x4] =	wrdreg $0x9  }
0xb2: {  	_ =	task.clear_ibuf [dreg:s8], $0x5FFFF;
	_ =	strace $0x90000046  }
0xb3: {  	s29 =	simm.s32 $0x9;
	_ =	strace $0x80000048  }
0xb4: {  	_ =	swait.ge [sflag:s29], $0x1  }
0xb5: {  	[sflag:s29] =	ssyncadd.s32 $0xFFFFFFFF  }
0xb6: {  	_ =	strace $0x90000048  }
0xb7: {  	_ =	sfence  }
0xb8: {  	s30 =	sld [smem:$0x0];
	_ =	sdelay $0x2  }
0xb9: {  	s31 =	sshll.u32 s1, $0xD;
	s1 =	sshrl.u32 s1, $0x2  }
0xba: {  	s3 =	sand.u32 $0x4000, s31;
	s1 =	sadd.s32 s1, s30  }
0xbb: {  	s0 =	sor.u32 s3, s0;
	s1 =	sshll.u32 s1, $0x11  }
0xbc: {  	s0 =	sor.u32 s1, s0  }
0xbd: {  	s0 =	sadd.s32 $0x8F2B, s0  }
0xbe: {  	[sflag:s0] =	ssyncadd.remote.s32 $0x1  }
0xbf: {  	_ =	sfence.sel $0xFFFF  }
0xc0: {  	[dreg:$0x0] =	wrdreg $0xFFFFFFFF;
	(pc) =	sbr.abs _section_cstart, $3  }
0xc1: {  	[dreg:$0x1] =	wrdreg $0xFFFFFFFF  }
0xc2: {  	_ =	task.clear_ibuf [dreg:s8], $0x2FFFF;
	_ =	strace $0x9FFFFFFF  }
0xc3: {  	(tm) =	ssettm $0x7FFFFFFF  }
tec
execute0_lowered:
.L_overlay_start_1:
0x0: {  	(tag) =	ssettag $0x1  }
0x1: {  	s1 =	rddreg [dreg:$0x0]  }
0x2: {  	s0 =	srdreg.scid;
	s2 =	rddreg [dreg:$0x1];
	s4 =	simm.s32 $0x0  }
0x3: {  	v26 =	vlaneseq.u32;
	s3 =	stileid.u32;
	v16 =	vimm.s32 $0x0;
	s13 =	simm.s32 $0x80;
	v17 =	vimm.s32 $0x2;
	s14 =	simm.s32 $0x400  }
0x4: {  	v18 =	vimm.s32 $0x4;
	s15 =	simm.s32 $0x4400;
	s16 =	simm.s32 $0x1;
	v19 =	vimm.s32 $0x6;
	v20 =	vimm.s32 $0x8;
	s17 =	simm.s32 $0x8800  }
0x5: {  	v22 =	vimm.s32 $0xA;
	v23 =	vimm.s32 $0xC;
	s18 =	simm.s32 $0x2;
	s19 =	simm.s32 $0x4;
	s20 =	simm.s32 $0xC800;
	v0 =	vmul.u32 $0xF, v26  }
0x6: {  	v24 =	vimm.s32 $0xE;
	v25 =	vimm.f32 $0.0e+00;
	s21 =	simm.s32 $0x3;
	s22 =	simm.s32 $0x0;
	s7 =	sand.u32 $0x1, s0;
	v21 =	vand.u32 $0x7, v26  }
0x7: {  	[smem:$0x7FF] =	sst s4;
	s8 =	sshll.u32 s3, $0x3;
	v26 =	vmul.u32 $0x10, v26;
	s5 =	ssub.s32 $0x2, s7;
	v21 =	vmul.u32 $0x10, v21;
	v1 =	vadd.s32 $0x1, v0  }
.Ltmp0:
0x8: {  	s11 =	sadd.s32 $0x4000, s2;
	s6 =	sshrl.u32 s5, $0x1;
	v2 =	vadd.s32 $0x2, v0;
	v3 =	vadd.s32 $0x3, v0;
	v4 =	vadd.s32 $0x4, v0;
	(pc) =	sbr.rel .LBB2_1-.Ltmp0, $4  }
0x9: {  	_ =	strace $0x80000047;
	v5 =	vadd.s32 $0x5, v0;
	v6 =	vadd.s32 $0x6, v0;
	v7 =	vadd.s32 $0x7, v0;
	s12 =	ssub.s32 s5, s6;
	s5 =	sshll.u32 s7, $0x2  }
0xa: {  	v8 =	vadd.s32 $0x8, v0;
	v9 =	vadd.s32 $0x9, v0;
	v10 =	vadd.s32 $0xA, v0;
	s6 =	sshll.u32 s3, $0xF;
	s7 =	sshll.u32 s7, $0x6;
	s10 =	sor.u32 s5, s8  }
0xb: {  	v11 =	vadd.s32 $0xB, v0;
	v12 =	vadd.s32 $0xC, v0;
	v13 =	vadd.s32 $0xD, v0;
	s9 =	sor.u32 s7, s6;
	s7 =	sadd.s32 $0x3C00, s1;
	s12 =	smax.u32 s12, $0x1  }
0xc: {  	v14 =	vadd.s32 $0xE, v0;
	v15 =	vadd.s32 $0xF, v0;
	v27 =	vor.u32 $0x3F80, v21;
	s8 =	sadd.s32 s1, s9;
	s9 =	sadd.s32 s9, s7;
	s10 =	sor.u32 $0x1, s10  }
.LBB2_12:
0xd: {  	s22 =	sadd.s32 $0x1, s22  }
0xe: {  	_ =	swait.ge [sflag:s21], $0x4000;
	p0 =	sne.s32 s22, s12  }
.Ltmp1:
0xf: {  	[sflag:s21] =	ssyncset.done $0x0;
	(pc) =	sbr.rel @!p0 .LBB2_13-.Ltmp1, $4  }
0x10: {  	[sflag:s21] =	ssyncadd.s32 $0xFFFFC000  }
0x11: {  	_ =	swait.ge [sflag:s19], $0x4000  }
0x12: {  	[sflag:s19] =	ssyncset.done $0x0  }
0x13: {  	[sflag:s19] =	ssyncadd.s32 $0xFFFFC000  }
.LBB2_1:
0x14: {  	[tilespmem:s4], [sflag:$0x1] =	stream.strided.gather [hbm4b:s8+s13], $0x4400, s14, s13, $0x38;
	[tilespmem:$0x10800] =	vst v63  }
0x15: {  	s23 =	simm.s32 $0x0  }
0x16: {  	[tilespmem:s15], [sflag:$0x2] =	stream.strided.gather [hbm4b:s9+s13], $0x4400, s14, s13, $0x38;
	[tilespmem:$0x10800] =	vst v63  }
.LBB2_2:
0x17: {  	_ =	swait.ge [sflag:s16], $0x4400;
	s24 =	simm.s32 $0x0  }
0x18: {  	p0 =	seq.s32 s23, $0x0;
	[sflag:s16] =	ssyncset.done $0x0;
	v28 =	vadd.s32 s24, v15  }
0x19: {  	s25 =	simm.s32 @!p0 $0x3;
	v29 =	vadd.s32 s24, v11;
	[sflag:s16] =	ssyncadd.s32 $0xFFFFBC00  }
0x1a: {  	v30 =	vadd.s32 s24, v10;
	_ =	swait.ge @!p0 [sflag:s25], $0x4000  }
0x1b: {  	v31 =	vadd.s32 s24, v0;
	[sflag:s25] =	ssyncset.done @!p0 $0x0  }
0x1c: {  	v32 =	vadd.s32 s24, v9;
	[sflag:s25] =	ssyncadd.s32 @!p0 $0xFFFFC000  }
0x1d: {  	v33 =	vadd.s32 s24, v6;
	v34 =	vld.idx.msk [tilespmem:v28+s4+$0x0], $0xffff  }
0x1e: {  	v35 =	vadd.s32 s24, v8;
	v28 =	vld.idx.msk [tilespmem:v29+s4+$0x0], $0xffff  }
0x1f: {  	v36 =	vadd.s32 s24, v5;
	v30 =	vld.idx.msk [tilespmem:v30+s4+$0x0], $0xffff  }
0x20: {  	v38 =	vadd.s32 s24, v14;
	v37 =	vld.idx.msk [tilespmem:v31+s4+$0x0], $0xffff  }
0x21: {  	v39 =	vadd.s32 s24, v1;
	v32 =	vld.idx.msk [tilespmem:v32+s4+$0x0], $0xffff  }
0x22: {  	v40 =	vadd.s32 s24, v2;
	v33 =	vld.idx.msk [tilespmem:v33+s4+$0x0], $0xffff  }
0x23: {  	v41 =	vadd.s32 s24, v3;
	v35 =	vld.idx.msk [tilespmem:v35+s4+$0x0], $0xffff  }
0x24: {  	v29 =	vadd.s32 s24, v7;
	v36 =	vld.idx.msk [tilespmem:v36+s4+$0x0], $0xffff  }
0x25: {  	v31 =	vadd.s32 s24, v4;
	v38 =	vld.idx.msk [tilespmem:v38+s4+$0x0], $0xffff  }
0x26: {  	s26 =	simm.s32 $0xF0;
	v42 =	vadd.s32 s24, v12;
	v39 =	vld.idx.msk [tilespmem:v39+s4+$0x0], $0xffff  }
0x27: {  	v43 =	vadd.s32 s24, v13;
	v44 =	vadd.s32 s26, v0;
	v45 =	vadd.s32 s26, v15;
	v40 =	vld.idx.msk [tilespmem:v40+s4+$0x0], $0xffff  }
0x28: {  	v47 =	vadd.s32 s26, v10;
	v59 =	vadd.s32 s26, v9;
	v48 =	vadd.s32 s26, v6;
	v41 =	vld.idx.msk [tilespmem:v41+s4+$0x0], $0xffff  }
0x29: {  	v55 =	vadd.s32 s26, v7;
	v56 =	vadd.s32 s26, v8;
	v57 =	vadd.s32 s26, v4;
	v29 =	vld.idx.msk [tilespmem:v29+s4+$0x0], $0xffff  }
0x2a: {  	v50 =	vadd.s32 s26, v5;
	v31 =	vld.idx.msk [tilespmem:v31+s4+$0x0], $0xffff;
	vm0 =	vgt.f32 v28, v30;
	vm2 =	vgt.f32 v32, v35  }
0x2b: {  	s25 =	simm.s32 $0x8880;
	v42 =	vld.idx.msk [tilespmem:v42+s4+$0x0], $0xffff;
	vm4 =	vgt.f32 v39, v37;
	v28 =	vsel vm0, v28, v30;
	v46 =	vsel vm0, $0xB, v22  }
0x2c: {  	v60 =	vld.idx.msk [tilespmem:v43+s4+$0x0], $0xffff;
	[tilespmem:s25+$0xFFFFFF80] =	vst v25;
	v30 =	vadd.s32 s26, v11;
	v32 =	vsel vm2, v32, v35;
	v61 =	vsel vm2, $0x9, v20  }
0x2d: {  	[tilespmem:s25+$0xFFFFFF90] =	vst v25;
	v37 =	vsel vm4, v39, v37;
	v63 =	vsel vm4, $0x1, v16;
	vm1 =	vgt.f32 v28, v32  }
0x2e: {  	[tilespmem:s25+$0xFFFFFFA0] =	vst v25;
	v35 =	vadd.s32 s26, v2;
	v32 =	vsel vm1, v28, v32;
	vm0 =	vgt.f32 v29, v33  }
0x2f: {  	[tilespmem:s25+$0xFFFFFFB0] =	vst v25;
	v58 =	vsel vm1, v46, v61;
	vm3 =	vgt.f32 v36, v31;
	v29 =	vsel vm0, v29, v33  }
0x30: {  	[tilespmem:s25+$0xFFFFFFC0] =	vst v25;
	v31 =	vsel vm3, v36, v31;
	v28 =	vsel vm3, $0x5, v18;
	vm3 =	vgt.f32 v34, v38  }
0x31: {  	[tilespmem:s25+$0xFFFFFFD0] =	vst v25;
	v33 =	vld.idx.msk [tilespmem:v59+s4+$0x0], $0xffff;
	v59 =	vadd.s32 s26, v14;
	vm2 =	vgt.f32 v29, v31;
	v49 =	vsel vm3, $0xF, v24  }
0x32: {  	[tilespmem:s25+$0xFFFFFFE0] =	vst v25;
	v39 =	vld.idx.msk [tilespmem:v55+s4+$0x0], $0xffff;
	v34 =	vsel vm3, v34, v38;
	v43 =	vsel vm2, v29, v31;
	v29 =	vsel vm0, $0x7, v19  }
0x33: {  	[tilespmem:s25+$0xFFFFFFF0] =	vst v25;
	v38 =	vor.u32 s24, v26;
	vm0 =	vgt.f32 v41, v40;
	v31 =	vld.idx.msk [tilespmem:v47+s4+$0x0], $0xffff;
	v47 =	vsel vm2, v29, v28  }
0x34: {  	[tilespmem:s25+$0x0] =	vst v25;
	v30 =	vld.idx.msk [tilespmem:v30+s4+$0x0], $0xffff;
	v29 =	vsel vm0, v41, v40;
	v62 =	vsel vm0, $0x3, v17;
	vm2 =	vgt.f32 v60, v42  }
0x35: {  	[tilespmem:s25+$0x10] =	vst v25;
	v28 =	vld.idx.msk [tilespmem:v45+s4+$0x0], $0xffff;
	v45 =	vadd.s32 s26, v12;
	v41 =	vadd.s32 s26, v13;
	v54 =	vsel vm2, v60, v42  }
0x36: {  	[tilespmem:s25+$0x20] =	vst v25;
	v36 =	vld.idx.msk [tilespmem:v48+s4+$0x0], $0xffff;
	vm15 =	vgt.f32 v29, v37;
	v61 =	vsel vm2, $0xD, v23;
	vm1 =	vgt.f32 v34, v54  }
0x37: {  	[tilespmem:s25+$0x30] =	vst v25;
	v40 =	vld.idx.msk [tilespmem:v56+s4+$0x0], $0xffff;
	v51 =	vsel vm15, v29, v37;
	v37 =	vadd.s32 s26, v1;
	v34 =	vsel vm1, v34, v54  }
0x38: {  	v42 =	vld.idx.msk [tilespmem:v50+s4+$0x0], $0xffff;
	v60 =	vsel vm15, v62, v63;
	vm3 =	vgt.f32 v43, v51;
	vm2 =	vgt.f32 v34, v32  }
0x39: {  	v29 =	vld.idx.msk [tilespmem:v44+s4+$0x0], $0xffff;
	v62 =	vsel vm1, v49, v61;
	v51 =	vsel vm3, v43, v51;
	v32 =	vsel vm2, v34, v32  }
0x3a: {  	v47 =	vsel vm3, v47, v60;
	v43 =	vld.idx.msk [tilespmem:v57+s4+$0x0], $0xffff;
	v63 =	vsel vm2, v62, v58;
	vm1 =	vgt.f32 v32, v51  }
0x3b: {  	s30 =	simm.s32 $0x1E0;
	[tilespmem:s25+$0x40] =	vst v25;
	v44 =	vadd.s32 s26, v3;
	s26 =	simm.s32 $0x8880;
	vm0 =	vgt.f32 v30, v31;
	v32 =	vld.idx.msk [tilespmem:v59+s4+$0x0], $0xffff;
	v34 =	vsel vm1, v63, v47  }
.LBB2_3:
0x3c: {  	s24 =	sadd.s32 $0x100, s24  }
0x3d: {  	v46 =	vadd.s32 s30, v0;
	v47 =	vadd.s32 s30, v15;
	v45 =	vld.idx.msk [tilespmem:v45+s4+$0x0], $0xffff;
	[tilespmem:s25+$0x50] =	vst v25;
	v48 =	vor.u32 v38, v34;
	s26 =	sadd.s32 $0x100, s26;
	s29 =	smov.u32 s30;
	s28 =	sadd.s32 $0xF0, s30  }
0x3e: {  	p1 =	sne.s32 s30, $0x3B10;
	v30 =	vsel vm0, v30, v31;
	v49 =	vsel vm0, $0xB, v22;
	v31 =	vand.u32 v27, v38;
	v37 =	vld.idx.msk [tilespmem:v37+s4+$0x0], $0xffff;
	[tilespmem:s25+$0x60] =	vst v25  }
0x3f: {  	vm0 =	vgt.f32 v39, v36;
	v38 =	vadd.s32 s29, v11;
	vm2 =	vgt.f32 v33, v40;
	v35 =	vld.idx.msk [tilespmem:v35+s4+$0x0], $0xffff;
	[tilespmem:s25+$0x70] =	vst v25;
	s25 =	smov.u32 s26  }
0x40: {  	v50 =	vadd.s32 s29, v10;
	v36 =	vsel vm0, v39, v36;
	v34 =	vor.u32 v34, v31;
	v44 =	vld.idx.msk [tilespmem:v44+s4+$0x0], $0xffff  }
0x41: {  	v39 =	vadd.s32 s29, v9;
	v31 =	vsel vm2, v33, v40;
	vm3 =	vgt.f32 v42, v43;
	v41 =	vld.idx.msk [tilespmem:v41+s4+$0x0], $0xffff  }
0x42: {  	v40 =	vadd.s32 s29, v6;
	vm1 =	vgt.f32 v30, v31;
	v33 =	vsel vm3, v42, v43;
	[tilespmem:s26+$0xFFFFFF80] =	vst v25;
	v42 =	vld.idx.msk [tilespmem:v48+s4+$0x0], $0xffff  }
0x43: {  	v48 =	vsel vm1, v30, v31;
	v43 =	vld.idx.msk [tilespmem:v47+s4+$0x0], $0xffff;
	v47 =	vsel vm2, $0x9, v20;
	vm2 =	vgt.f32 v36, v33;
	[tilespmem:s26+$0xFFFFFF90] =	vst v25  }
0x44: {  	v51 =	vsel vm3, $0x5, v18;
	vm3 =	vgt.f32 v28, v32;
	v52 =	vsel vm2, v36, v33;
	[tilespmem:s26+$0xFFFFFFA0] =	vst v25  }
0x45: {  	vm4 =	vgt.f32 v37, v29;
	v33 =	vsel vm0, $0x7, v19;
	v30 =	vld.idx.msk [tilespmem:v38+s4+$0x0], $0xffff;
	v38 =	vsel vm3, $0xF, v24;
	[tilespmem:s26+$0xFFFFFFB0] =	vst v25  }
0x46: {  	v29 =	vsel vm4, v37, v29;
	vm0 =	vgt.f32 v44, v35;
	v31 =	vld.idx.msk [tilespmem:v50+s4+$0x0], $0xffff;
	v50 =	vsel vm2, v33, v51  }
0x47: {  	v33 =	vsel vm0, v44, v35;
	v44 =	vsel vm0, $0x3, v17;
	vm2 =	vgt.f32 v41, v45;
	[tilespmem:s26+$0xFFFFFFC0] =	vst v25  }
0x48: {  	v51 =	vsel vm4, $0x1, v16;
	v41 =	vsel vm2, v41, v45;
	vm4 =	vgt.f32 v33, v29;
	[tilespmem:v34+s17+$0x0] =	vst.idx.msk $0xffff, v42  }
0x49: {  	v32 =	vsel vm3, v28, v32;
	v34 =	vadd.s32 s29, v7;
	v42 =	vadd.s32 s29, v8;
	v28 =	vmovc v43;
	[tilespmem:s26+$0xFFFFFFD0] =	vst v25  }
0x4a: {  	v53 =	vadd.s32 s29, v5;
	v43 =	vadd.s32 s29, v4;
	v54 =	vsel vm4, v33, v29;
	[tilespmem:s26+$0xFFFFFFE0] =	vst v25  }
0x4b: {  	v37 =	vadd.s32 s29, v1;
	v35 =	vadd.s32 s29, v2;
	vm3 =	vgt.f32 v52, v54;
	v29 =	vld.idx.msk [tilespmem:v46+s4+$0x0], $0xffff;
	[tilespmem:s26+$0xFFFFFFF0] =	vst v25  }
0x4c: {  	vm0 =	vgt.f32 v30, v31;
	v46 =	vsel vm1, v49, v47;
	vm1 =	vgt.f32 v32, v41;
	v33 =	vld.idx.msk [tilespmem:v39+s4+$0x0], $0xffff  }
0x4d: {  	v44 =	vsel vm4, v44, v51;
	v47 =	vadd.s32 s29, v14;
	v32 =	vsel vm1, v32, v41;
	v36 =	vld.idx.msk [tilespmem:v40+s4+$0x0], $0xffff;
	[tilespmem:s26+$0x0] =	vst v25  }
.Ltmp2:
0x4e: {  	v45 =	vadd.s32 s29, v12;
	v41 =	vadd.s32 s29, v13;
	v39 =	vld.idx.msk [tilespmem:v34+s4+$0x0], $0xffff;
	v34 =	vsel vm2, $0xD, v23;
	[tilespmem:s26+$0x10] =	vst v25;
	(pc) =	sbr.rel @p1 .LBB2_3-.Ltmp2, $4  }
0x4f: {  	v50 =	vsel vm3, v50, v44;
	v49 =	vsel vm3, v52, v54;
	vm2 =	vgt.f32 v32, v48;
	v40 =	vld.idx.msk [tilespmem:v42+s4+$0x0], $0xffff  }
0x50: {  	v44 =	vadd.s32 s29, v3;
	v34 =	vsel vm1, v38, v34;
	v32 =	vsel vm2, v32, v48;
	v42 =	vld.idx.msk [tilespmem:v53+s4+$0x0], $0xffff;
	[tilespmem:s26+$0x20] =	vst v25  }
0x51: {  	v34 =	vsel vm2, v34, v46;
	vm1 =	vgt.f32 v32, v49;
	v43 =	vld.idx.msk [tilespmem:v43+s4+$0x0], $0xffff;
	[tilespmem:s26+$0x30] =	vst v25  }
0x52: {  	s30 =	smov.u32 s28;
	v38 =	vor.u32 s24, v26;
	v34 =	vsel vm1, v34, v50;
	v32 =	vld.idx.msk [tilespmem:v47+s4+$0x0], $0xffff;
	[tilespmem:s26+$0x40] =	vst v25  }
0x53: {  	_ =	sdelay $0x3  }
0x54: {  	v45 =	vld.idx.msk [tilespmem:v45+s4+$0x0], $0xffff  }
0x55: {  	v37 =	vld.idx.msk [tilespmem:v37+s4+$0x0], $0xffff  }
0x56: {  	v35 =	vld.idx.msk [tilespmem:v35+s4+$0x0], $0xffff  }
0x57: {  	v30 =	vsel vm0, v30, v31;
	vm1 =	vgt.f32 v39, v36;
	v44 =	vld.idx.msk [tilespmem:v44+s4+$0x0], $0xffff;
	vm7 =	vgt.f32 v33, v40  }
0x58: {  	[tilespmem:s25+$0x50] =	vst v25;
	v50 =	vsel vm0, $0xB, v22;
	v51 =	vld.idx.msk [tilespmem:v41+s4+$0x0], $0xffff;
	v36 =	vsel vm1, v39, v36;
	v33 =	vsel vm7, v33, v40  }
0x59: {  	[tilespmem:s25+$0x60] =	vst v25;
	v55 =	vsel vm1, $0x7, v19;
	vm2 =	vgt.f32 v42, v43;
	vm3 =	vgt.f32 v30, v33  }
0x5a: {  	s26 =	sadd.s32 $0x100, s26;
	[tilespmem:s25+$0x70] =	vst v25;
	v53 =	vsel vm7, $0x9, v20;
	v52 =	vsel vm2, v42, v43;
	v30 =	vsel vm3, v30, v33  }
0x5b: {  	[tilespmem:s26+$0xFFFFFF80] =	vst v25;
	v54 =	vsel vm2, $0x5, v18;
	vm9 =	vgt.f32 v28, v32;
	v31 =	vsel vm3, v50, v53  }
0x5c: {  	[tilespmem:s26+$0xFFFFFF90] =	vst v25;
	vm8 =	vgt.f32 v36, v52;
	vm4 =	vgt.f32 v37, v29;
	v56 =	vsel vm9, $0xF, v24  }
0x5d: {  	[tilespmem:s26+$0xFFFFFFA0] =	vst v25;
	vm10 =	vgt.f32 v44, v35;
	vm11 =	vgt.f32 v51, v45;
	v28 =	vsel vm9, v28, v32  }
0x5e: {  	[tilespmem:s26+$0xFFFFFFB0] =	vst v25;
	v36 =	vsel vm8, v36, v52;
	v29 =	vsel vm4, v37, v29;
	v33 =	vsel vm8, v55, v54  }
0x5f: {  	[tilespmem:s26+$0xFFFFFFC0] =	vst v25;
	v35 =	vsel vm10, v44, v35;
	v57 =	vsel vm10, $0x3, v17;
	v39 =	vsel vm11, v51, v45  }
0x60: {  	[tilespmem:s26+$0xFFFFFFD0] =	vst v25;
	v58 =	vsel vm4, $0x1, v16;
	vm12 =	vgt.f32 v35, v29;
	vm2 =	vgt.f32 v28, v39  }
0x61: {  	[tilespmem:s26+$0xFFFFFFE0] =	vst v25;
	v59 =	vsel vm11, $0xD, v23;
	v29 =	vsel vm12, v35, v29;
	v28 =	vsel vm2, v28, v39  }
0x62: {  	[tilespmem:s26+$0xFFFFFFF0] =	vst v25;
	v32 =	vsel vm12, v57, v58;
	vm13 =	vgt.f32 v36, v29;
	vm14 =	vgt.f32 v28, v30  }
0x63: {  	[tilespmem:s26+$0x0] =	vst v25;
	v35 =	vsel vm2, v56, v59;
	v29 =	vsel vm13, v36, v29;
	v28 =	vsel vm14, v28, v30  }
0x64: {  	s24 =	sadd.s32 $0x100, s24;
	[tilespmem:s26+$0x10] =	vst v25;
	v60 =	vsel vm13, v33, v32;
	v31 =	vsel vm14, v35, v31;
	vm15 =	vgt.f32 v28, v29  }
0x65: {  	[tilespmem:s26+$0x20] =	vst v25;
	v61 =	vor.u32 s24, v26;
	v28 =	vor.u32 v38, v34;
	v29 =	vsel vm15, v31, v60  }
0x66: {  	[tilespmem:s26+$0x30] =	vst v25;
	v31 =	vor.u32 v61, v29  }
0x67: {  	[tilespmem:s26+$0x40] =	vst v25  }
0x68: {  	[tilespmem:s26+$0x50] =	vst v25  }
0x69: {  	v62 =	vand.u32 v27, v38;
	[tilespmem:s26+$0x60] =	vst v25  }
0x6a: {  	[tilespmem:s26+$0x70] =	vst v25;
	v32 =	vor.u32 v34, v62;
	v30 =	vand.u32 v27, v61;
	v28 =	vld.idx.msk [tilespmem:v28+s4+$0x0], $0xffff  }
0x6b: {  	v29 =	vor.u32 v29, v30;
	v63 =	vld.idx.msk [tilespmem:v31+s4+$0x0], $0xffff  }
0x6c: {  	p1 =	sne.s32 s23, $0x3  }
.Ltmp3:
0x6d: {  	s30 =	sadd.s32 s5, s23;
	(pc) =	sbr.rel @p1 .LBB2_6-.Ltmp3, $4  }
0x6e: {  	s24 =	sshll.u32 s30, $0x4  }
0x6f: {  	s24 =	sadd.s32 s6, s24;
	[tilespmem:v32+s17+$0x0] =	vst.idx.msk $0xffff, v28  }
0x70: {  	s31 =	sadd.s32 s2, s24;
	[tilespmem:v29+s17+$0x0] =	vst.idx.msk $0xffff, v63  }
0x71: {  	[hbm4b:s31+s13] =	stream.strided.scatter [tilespmem:s17], [sflag:$0x3], $0x4000, s14, s13, $0x38;
	[tilespmem:$0x10800] =	vst v63  }
.Ltmp4:
0x72: {  	(pc) =	sbr.rel .LBB2_7-.Ltmp4, $4  }
0x73: {  	_ = 	snop  }
0x74: {  	_ =	swait.ge [sflag:s18], $0x4400  }
0x75: {  	[sflag:s18] =	ssyncset.done $0x0  }
0x76: {  	[sflag:s18] =	ssyncadd.s32 $0xFFFFBC00  }
.LBB2_6:
0x77: {  	s25 =	sadd.s32 s23, s10  }
0x78: {  	s26 =	sshll.u32 s25, $0x4  }
0x79: {  	s25 =	sshll.u32 s25, $0xC;
	s26 =	sand.u32 $0x70, s26  }
0x7a: {  	s25 =	sand.u32 $0xF8000, s25;
	s26 =	sadd.s32 s1, s26  }
.Ltmp5:
0x7b: {  	s25 =	sadd.s32 s25, s26;
	(pc) =	sbr.rel @p0 .LBB2_8-.Ltmp5, $4  }
0x7c: {  	[tilespmem:s4], [sflag:$0x1] =	stream.strided.gather [hbm4b:s25+s13], $0x4400, s14, s13, $0x38;
	[tilespmem:$0x10800] =	vst v63  }
0x7d: {  	_ =	swait.ge [sflag:s18], $0x4400  }
0x7e: {  	[sflag:s18] =	ssyncset.done $0x0  }
0x7f: {  	[sflag:s18] =	ssyncadd.s32 $0xFFFFBC00  }
.LBB2_7:
0x80: {  	_ =	swait.ge [sflag:s19], $0x4000  }
0x81: {  	[sflag:s19] =	ssyncset.done $0x0  }
0x82: {  	[sflag:s19] =	ssyncadd.s32 $0xFFFFC000  }
.LBB2_8:
0x83: {  	s25 =	simm.s32 $0x0  }
0x84: {  	v28 =	vadd.s32 s25, v6  }
0x85: {  	v29 =	vadd.s32 s25, v7  }
0x86: {  	v30 =	vadd.s32 s25, v0  }
0x87: {  	v31 =	vadd.s32 s25, v5  }
0x88: {  	v32 =	vadd.s32 s25, v4  }
0x89: {  	v33 =	vadd.s32 s25, v9;
	v28 =	vld.idx.msk [tilespmem:v28+s15+$0x0], $0xffff  }
0x8a: {  	v34 =	vadd.s32 s25, v8;
	v29 =	vld.idx.msk [tilespmem:v29+s15+$0x0], $0xffff  }
0x8b: {  	v35 =	vadd.s32 s25, v11;
	v30 =	vld.idx.msk [tilespmem:v30+s15+$0x0], $0xffff  }
0x8c: {  	v36 =	vadd.s32 s25, v3;
	v31 =	vld.idx.msk [tilespmem:v31+s15+$0x0], $0xffff  }
0x8d: {  	v37 =	vadd.s32 s25, v10;
	v32 =	vld.idx.msk [tilespmem:v32+s15+$0x0], $0xffff  }
0x8e: {  	v38 =	vadd.s32 s25, v1;
	v33 =	vld.idx.msk [tilespmem:v33+s15+$0x0], $0xffff  }
0x8f: {  	v39 =	vadd.s32 s25, v2;
	v34 =	vld.idx.msk [tilespmem:v34+s15+$0x0], $0xffff  }
0x90: {  	v41 =	vadd.s32 s25, v13;
	v35 =	vld.idx.msk [tilespmem:v35+s15+$0x0], $0xffff  }
0x91: {  	v42 =	vadd.s32 s25, v14;
	v36 =	vld.idx.msk [tilespmem:v36+s15+$0x0], $0xffff  }
0x92: {  	s29 =	simm.s32 $0xF0;
	v43 =	vadd.s32 s25, v15;
	v37 =	vld.idx.msk [tilespmem:v37+s15+$0x0], $0xffff  }
0x93: {  	v50 =	vadd.s32 s29, v10;
	v38 =	vld.idx.msk [tilespmem:v38+s15+$0x0], $0xffff  }
0x94: {  	v40 =	vadd.s32 s25, v12;
	v44 =	vadd.s32 s29, v0;
	v59 =	vadd.s32 s29, v6;
	v39 =	vld.idx.msk [tilespmem:v39+s15+$0x0], $0xffff  }
0x95: {  	v56 =	vadd.s32 s29, v7;
	v45 =	vadd.s32 s29, v8;
	v57 =	vadd.s32 s29, v4;
	v60 =	vld.idx.msk [tilespmem:v41+s15+$0x0], $0xffff  }
0x96: {  	s26 =	simm.s32 $0x1E0;
	v46 =	vadd.s32 s29, v5;
	v47 =	vadd.s32 s29, v2;
	v48 =	vadd.s32 s29, v9;
	v61 =	vld.idx.msk [tilespmem:v42+s15+$0x0], $0xffff  }
0x97: {  	v51 =	vadd.s32 s29, v11;
	v53 =	vadd.s32 s29, v14;
	v55 =	vadd.s32 s26, v0;
	v62 =	vld.idx.msk [tilespmem:v43+s15+$0x0], $0xffff  }
0x98: {  	v50 =	vld.idx.msk [tilespmem:v50+s15+$0x0], $0xffff;
	vm3 =	vgt.f32 v29, v28;
	vm6 =	vgt.f32 v31, v32;
	vm5 =	vgt.f32 v33, v34  }
0x99: {  	vm1 =	vgt.f32 v38, v30;
	v28 =	vsel vm3, v29, v28;
	v29 =	vsel vm6, v31, v32;
	v31 =	vld.idx.msk [tilespmem:v40+s15+$0x0], $0xffff  }
0x9a: {  	s28 =	simm.s32 $0xC880;
	vm2 =	vgt.f32 v35, v37;
	vm0 =	vgt.f32 v36, v39;
	v32 =	vsel vm5, v33, v34;
	v34 =	vld.idx.msk [tilespmem:v44+s15+$0x0], $0xffff  }
0x9b: {  	v63 =	vsel vm6, $0x5, v18;
	[tilespmem:s28+$0xFFFFFF90] =	vst v25;
	v36 =	vsel vm0, v36, v39;
	v30 =	vsel vm1, v38, v30;
	v44 =	vld.idx.msk [tilespmem:v46+s15+$0x0], $0xffff  }
0x9c: {  	[tilespmem:s28+$0x70] =	vst v25;
	v38 =	vadd.s32 s29, v1;
	v49 =	vsel vm3, $0x7, v19;
	v52 =	vsel vm5, $0x9, v20;
	v39 =	vld.idx.msk [tilespmem:v57+s15+$0x0], $0xffff  }
0x9d: {  	[tilespmem:s28+$0xFFFFFFE0] =	vst v25;
	vm5 =	vgt.f32 v62, v61;
	v35 =	vsel vm2, v35, v37;
	v46 =	vld.idx.msk [tilespmem:v51+s15+$0x0], $0xffff;
	v54 =	vsel vm2, $0xB, v22  }
0x9e: {  	[tilespmem:s28+$0xFFFFFF80] =	vst v25;
	vm4 =	vgt.f32 v28, v29;
	vm3 =	vgt.f32 v36, v30;
	v58 =	vsel vm5, $0xF, v24  }
0x9f: {  	[tilespmem:s28+$0xFFFFFFD0] =	vst v25;
	v40 =	vsel vm5, v62, v61;
	v61 =	vadd.s32 s29, v12;
	v62 =	vadd.s32 s29, v13  }
0xa0: {  	v43 =	vld.idx.msk [tilespmem:v56+s15+$0x0], $0xffff;
	[tilespmem:s28+$0xFFFFFFB0] =	vst v25;
	v28 =	vsel vm4, v28, v29;
	v42 =	vsel vm4, v49, v63;
	v29 =	vadd.s32 s29, v3  }
0xa1: {  	v33 =	vld.idx.msk [tilespmem:v59+s15+$0x0], $0xffff;
	[tilespmem:s28+$0xFFFFFFA0] =	vst v25;
	v30 =	vsel vm3, v36, v30;
	v63 =	vadd.s32 s29, v15;
	v49 =	vadd.s32 s26, v8  }
0xa2: {  	[tilespmem:s28+$0xFFFFFFC0] =	vst v25;
	vm6 =	vgt.f32 v60, v31;
	vm7 =	vgt.f32 v44, v39;
	vm2 =	vgt.f32 v46, v50  }
0xa3: {  	v45 =	vld.idx.msk [tilespmem:v45+s15+$0x0], $0xffff;
	[tilespmem:s28+$0x60] =	vst v25;
	v31 =	vsel vm6, v60, v31;
	v59 =	vsel vm6, $0xD, v23;
	vm6 =	vgt.f32 v35, v32  }
0xa4: {  	v38 =	vld.idx.msk [tilespmem:v38+s15+$0x0], $0xffff;
	v44 =	vsel vm7, v44, v39;
	vm4 =	vgt.f32 v40, v31;
	v32 =	vsel vm6, v35, v32  }
0xa5: {  	[tilespmem:s28+$0xFFFFFFF0] =	vst v25;
	v57 =	vld.idx.msk [tilespmem:v29+s15+$0x0], $0xffff;
	v29 =	vsel vm1, $0x1, v16;
	v35 =	vadd.s32 s26, v2;
	v31 =	vsel vm4, v40, v31  }
0xa6: {  	[tilespmem:s28+$0x0] =	vst v25;
	v60 =	vld.idx.msk [tilespmem:v48+s15+$0x0], $0xffff;
	v37 =	vsel vm4, v58, v59;
	v40 =	vor.u32 s25, v26;
	vm4 =	vgt.f32 v43, v33  }
0xa7: {  	v47 =	vld.idx.msk [tilespmem:v47+s15+$0x0], $0xffff;
	[tilespmem:s28+$0x10] =	vst v25;
	v58 =	vsel vm0, $0x3, v17;
	vm0 =	vgt.f32 v28, v30;
	v51 =	vand.u32 $0x3F80, v40  }
0xa8: {  	[tilespmem:s28+$0x20] =	vst v25;
	v33 =	vsel vm4, v43, v33;
	v59 =	vsel vm3, v58, v29;
	vm1 =	vgt.f32 v31, v32  }
0xa9: {  	[tilespmem:s28+$0x30] =	vst v25;
	v43 =	vld.idx.msk [tilespmem:v61+s15+$0x0], $0xffff;
	v28 =	vsel vm0, v28, v30;
	v58 =	vadd.s32 s26, v11;
	v39 =	vsel vm0, v42, v59  }
0xaa: {  	[tilespmem:s28+$0x40] =	vst v25;
	v30 =	vsel vm1, v31, v32;
	v31 =	vld.idx.msk [tilespmem:v62+s15+$0x0], $0xffff;
	vm0 =	vgt.f32 v38, v34;
	v32 =	vsel vm7, $0x5, v18  }
0xab: {  	[tilespmem:s28+$0x50] =	vst v25;
	s25 =	simm.s32 $0xC980;
	v62 =	vadd.s32 s26, v7;
	vm5 =	vgt.f32 v60, v45;
	vm3 =	vgt.f32 v30, v28;
	v30 =	vld.idx.msk [tilespmem:v63+s15+$0x0], $0xffff  }
0xac: {  	v42 =	vadd.s32 s26, v10;
	v63 =	vadd.s32 s26, v5;
	v29 =	vsel vm5, v60, v45;
	v45 =	vld.idx.msk [tilespmem:v53+s15+$0x0], $0xffff;
	[tilespmem:s25+$0xFFFFFF90] =	vst v25  }
0xad: {  	v56 =	vsel vm0, v38, v34;
	v60 =	vsel vm6, v54, v52;
	vm6 =	vgt.f32 v33, v44;
	[tilespmem:s25+$0x70] =	vst v25  }
0xae: {  	v53 =	vadd.s32 s26, v4;
	[tilespmem:s25+$0xFFFFFFE0] =	vst v25;
	v52 =	vadd.s32 s26, v3;
	v36 =	vsel vm1, v37, v60  }
0xaf: {  	[tilespmem:s25+$0xFFFFFF80] =	vst v25;
	v37 =	vadd.s32 s26, v6;
	vm1 =	vgt.f32 v57, v47;
	v60 =	vsel vm4, $0x7, v19  }
0xb0: {  	[tilespmem:s25+$0xFFFFFFD0] =	vst v25;
	v34 =	vsel vm6, v33, v44;
	v61 =	vsel vm3, v36, v39;
	v47 =	vsel vm1, v57, v47  }
0xb1: {  	v48 =	vld.idx.msk [tilespmem:v49+s15+$0x0], $0xffff;
	[tilespmem:s25+$0xFFFFFFB0] =	vst v25;
	v36 =	vadd.s32 s26, v1;
	v57 =	vadd.s32 s26, v9;
	v38 =	vsel vm6, v60, v32  }
0xb2: {  	v28 =	vor.u32 v40, v61;
	vm4 =	vgt.f32 v31, v43;
	vm3 =	vgt.f32 v47, v56;
	v41 =	vld.idx.msk [tilespmem:v62+s15+$0x0], $0xffff  }
0xb3: {  	v61 =	vor.u32 v61, v51;
	v51 =	vsel vm2, v46, v50;
	v59 =	vsel vm4, v31, v43;
	v31 =	vld.idx.msk [tilespmem:v55+s15+$0x0], $0xffff  }
0xb4: {  	[tilespmem:s25+$0xFFFFFFA0] =	vst v25;
	v50 =	vadd.s32 s26, v12;
	v46 =	vadd.s32 s26, v13;
	v43 =	vld.idx.msk [tilespmem:v63+s15+$0x0], $0xffff;
	v63 =	vsel vm4, $0xD, v23  }
0xb5: {  	[tilespmem:s25+$0xFFFFFFC0] =	vst v25;
	v40 =	vsel vm3, v47, v56;
	v39 =	vld.idx.msk [tilespmem:v37+s15+$0x0], $0xffff;
	v37 =	vsel vm5, $0x9, v20;
	vm5 =	vgt.f32 v30, v45  }
0xb6: {  	[tilespmem:s25+$0x60] =	vst v25;
	vm4 =	vgt.f32 v51, v29;
	v32 =	vadd.s32 $0x400, v61;
	v44 =	vld.idx.msk [tilespmem:v53+s15+$0x0], $0xffff;
	v30 =	vsel vm5, v30, v45  }
0xb7: {  	s28 =	simm.s32 $0x100;
	[tilespmem:s25+$0xFFFFFFF0] =	vst v25;
	v33 =	vor.u32 v21, v32;
	v32 =	vld.idx.msk [tilespmem:v58+s15+$0x0], $0xffff;
	v62 =	vsel vm5, $0xF, v24;
	vm5 =	vgt.f32 v30, v59  }
0xb8: {  	s31 =	simm.s32 $0x2D0;
	s29 =	simm.s32 $0xC980;
	[tilespmem:s25+$0x0] =	vst v25;
	v45 =	vld.idx.msk [tilespmem:v57+s15+$0x0], $0xffff;
	v47 =	vsel vm5, v30, v59;
	v49 =	vsel vm5, v62, v63;
	v30 =	vor.u32 s28, v26  }
.LBB2_9:
0xb9: {  	s28 =	sadd.s32 $0x100, s28  }
0xba: {  	v52 =	vld.idx.msk [tilespmem:v52+s15+$0x0], $0xffff;
	v53 =	vadd.s32 s26, v15;
	v51 =	vsel vm4, v51, v29;
	[tilespmem:s25+$0x10] =	vst v25;
	v54 =	vand.u32 $0x3F80, v30;
	s29 =	sadd.s32 $0x100, s29;
	s0 =	smov.u32 s31;
	s30 =	sadd.s32 $0xF0, s31  }
0xbb: {  	p0 =	sne.s32 s31, $0x3B10;
	vm5 =	vgt.f32 v41, v39;
	v56 =	vsel vm2, $0xB, v22;
	v55 =	vld.idx.msk [tilespmem:v42+s15+$0x0], $0xffff;
	v42 =	vadd.s32 s26, v14;
	[tilespmem:s25+$0x20] =	vst v25;
	s26 =	smov.u32 s0  }
0xbc: {  	v29 =	vsel vm0, $0x1, v16;
	v58 =	vsel vm5, v41, v39;
	v57 =	vadd.s32 s26, v0;
	v36 =	vld.idx.msk [tilespmem:v36+s15+$0x0], $0xffff;
	[tilespmem:s25+$0x30] =	vst v25  }
0xbd: {  	vm0 =	vgt.f32 v34, v40;
	vm7 =	vgt.f32 v43, v44;
	v39 =	vsel vm1, $0x3, v17;
	v35 =	vld.idx.msk [tilespmem:v35+s15+$0x0], $0xffff;
	[tilespmem:s25+$0x40] =	vst v25  }
0xbe: {  	v43 =	vsel vm7, v43, v44;
	v39 =	vsel vm3, v39, v29;
	vm6 =	vgt.f32 v45, v48;
	v33 =	vld.idx.msk [tilespmem:v33+s15+$0x0], $0xffff  }
0xbf: {  	v37 =	vsel vm4, v56, v37;
	vm1 =	vgt.f32 v47, v51;
	v29 =	vsel vm6, v45, v48;
	v44 =	vld.idx.msk [tilespmem:v50+s15+$0x0], $0xffff  }
0xc0: {  	v37 =	vsel vm1, v49, v37;
	vm4 =	vgt.f32 v58, v43;
	v38 =	vsel vm0, v38, v39;
	v45 =	vld.idx.msk [tilespmem:v42+s15+$0x0], $0xffff  }
0xc1: {  	v34 =	vsel vm0, v34, v40;
	v40 =	vsel vm1, v47, v51;
	v39 =	vadd.s32 s26, v6;
	v46 =	vld.idx.msk [tilespmem:v46+s15+$0x0], $0xffff;
	[tilespmem:s25+$0x50] =	vst v25;
	s25 =	smov.u32 s29  }
0xc2: {  	vm3 =	vgt.f32 v40, v34;
	vm2 =	vgt.f32 v32, v55;
	vm0 =	vgt.f32 v36, v31;
	v47 =	vld.idx.msk [tilespmem:v53+s15+$0x0], $0xffff  }
0xc3: {  	v40 =	vsel vm7, $0x5, v18;
	v48 =	vsel vm3, v37, v38;
	vm1 =	vgt.f32 v52, v35;
	[tilespmem:s29+$0xFFFFFF90] =	vst v25  }
0xc4: {  	v49 =	vadd.s32 s26, v8;
	v34 =	vadd.s32 s26, v7;
	v50 =	vsel vm1, v52, v35;
	[tilespmem:s29+$0x70] =	vst v25  }
0xc5: {  	v51 =	vadd.s32 s26, v5;
	v53 =	vadd.s32 s26, v4;
	v56 =	vsel vm0, v36, v31;
	[tilespmem:s29+$0xFFFFFFE0] =	vst v25  }
0xc6: {  	v30 =	vor.u32 v30, v48;
	v36 =	vadd.s32 s26, v1;
	v35 =	vadd.s32 s26, v2;
	[tilespmem:s29+$0xFFFFFF80] =	vst v25  }
0xc7: {  	v59 =	vadd.s32 s26, v9;
	v38 =	vsel vm5, $0x7, v19;
	vm5 =	vgt.f32 v46, v44;
	v39 =	vld.idx.msk [tilespmem:v39+s15+$0x0], $0xffff;
	[tilespmem:s29+$0xFFFFFFD0] =	vst v25  }
0xc8: {  	v60 =	vadd.s32 s26, v11;
	v42 =	vadd.s32 s26, v10;
	vm3 =	vgt.f32 v50, v56;
	[tilespmem:v28+s20+$0x0] =	vst.idx.msk $0xffff, v33;
	v28 =	vmovc v30  }
0xc9: {  	v37 =	vsel vm6, $0x9, v20;
	v30 =	vsel vm5, v46, v44;
	v41 =	vld.idx.msk [tilespmem:v34+s15+$0x0], $0xffff;
	v34 =	vsel vm4, v58, v43;
	[tilespmem:s29+$0xFFFFFFB0] =	vst v25  }
0xca: {  	v38 =	vsel vm4, v38, v40;
	vm6 =	vgt.f32 v47, v45;
	v33 =	vor.u32 v48, v54;
	v31 =	vld.idx.msk [tilespmem:v57+s15+$0x0], $0xffff  }
.Ltmp6:
0xcb: {  	v52 =	vadd.s32 s26, v3;
	v54 =	vsel vm6, $0xF, v24;
	v43 =	vld.idx.msk [tilespmem:v51+s15+$0x0], $0xffff;
	v51 =	vsel vm2, v32, v55;
	[tilespmem:s29+$0xFFFFFFA0] =	vst v25;
	(pc) =	sbr.rel @p0 .LBB2_9-.Ltmp6, $4  }
0xcc: {  	v40 =	vsel vm3, v50, v56;
	v47 =	vsel vm6, v47, v45;
	v44 =	vld.idx.msk [tilespmem:v53+s15+$0x0], $0xffff;
	v53 =	vsel vm5, $0xD, v23;
	[tilespmem:s29+$0xFFFFFFC0] =	vst v25  }
0xcd: {  	v32 =	vadd.s32 $0x400, v33;
	vm4 =	vgt.f32 v51, v29;
	vm5 =	vgt.f32 v47, v30;
	v45 =	vld.idx.msk [tilespmem:v59+s15+$0x0], $0xffff;
	[tilespmem:s29+$0x60] =	vst v25  }
0xce: {  	v50 =	vadd.s32 s26, v12;
	v46 =	vadd.s32 s26, v13;
	v33 =	vor.u32 v21, v32;
	v48 =	vld.idx.msk [tilespmem:v49+s15+$0x0], $0xffff;
	[tilespmem:s29+$0xFFFFFFF0] =	vst v25  }
0xcf: {  	s31 =	smov.u32 s30;
	v47 =	vsel vm5, v47, v30;
	v30 =	vor.u32 s28, v26;
	v49 =	vsel vm5, v54, v53;
	v32 =	vld.idx.msk [tilespmem:v60+s15+$0x0], $0xffff;
	[tilespmem:s29+$0x0] =	vst v25  }
0xd0: {  	_ =	sdelay $0x2  }
0xd1: {  	v53 =	vadd.s32 s26, v14  }
0xd2: {  	v52 =	vld.idx.msk [tilespmem:v52+s15+$0x0], $0xffff;
	v54 =	vadd.s32 s26, v15;
	v29 =	vsel vm4, v51, v29;
	vm5 =	vgt.f32 v41, v39  }
0xd3: {  	v42 =	vld.idx.msk [tilespmem:v42+s15+$0x0], $0xffff;
	v51 =	vand.u32 $0x3F80, v30;
	v55 =	vsel vm2, $0xB, v22;
	v63 =	vsel vm0, $0x1, v16  }
0xd4: {  	v36 =	vld.idx.msk [tilespmem:v36+s15+$0x0], $0xffff;
	v56 =	vsel vm1, $0x3, v17;
	vm10 =	vgt.f32 v34, v40;
	v39 =	vsel vm5, v41, v39  }
0xd5: {  	v35 =	vld.idx.msk [tilespmem:v35+s15+$0x0], $0xffff;
	vm6 =	vgt.f32 v43, v44;
	v41 =	vsel vm3, v56, v63;
	v37 =	vsel vm4, v55, v37  }
0xd6: {  	v62 =	vld.idx.msk [tilespmem:v46+s15+$0x0], $0xffff;
	s30 =	sadd.s32 $0x100, s28;
	vm11 =	vgt.f32 v47, v29;
	v34 =	vsel vm10, v34, v40;
	v46 =	vsel vm5, $0x7, v19  }
0xd7: {  	v60 =	vld.idx.msk [tilespmem:v50+s15+$0x0], $0xffff;
	v56 =	vor.u32 s30, v26;
	v43 =	vsel vm6, v43, v44;
	v38 =	vsel vm10, v38, v41  }
0xd8: {  	v37 =	vsel vm11, v49, v37;
	v29 =	vsel vm11, v47, v29;
	vm7 =	vgt.f32 v45, v48  }
0xd9: {  	[tilespmem:s25+$0x10] =	vst v25;
	vm12 =	vgt.f32 v39, v43;
	vm13 =	vgt.f32 v29, v34;
	v29 =	vsel vm6, $0x5, v18;
	v61 =	vld.idx.msk [tilespmem:v53+s15+$0x0], $0xffff  }
0xda: {  	[tilespmem:s25+$0x20] =	vst v25;
	v45 =	vsel vm7, v45, v48;
	v34 =	vsel vm13, v37, v38;
	v47 =	vsel vm7, $0x9, v20;
	v63 =	vld.idx.msk [tilespmem:v54+s15+$0x0], $0xffff  }
0xdb: {  	[tilespmem:s25+$0x30] =	vst v25;
	v39 =	vsel vm12, v39, v43;
	v29 =	vsel vm12, v46, v29;
	vm0 =	vgt.f32 v36, v31  }
0xdc: {  	[tilespmem:s25+$0x40] =	vst v25;
	vm1 =	vgt.f32 v32, v42;
	vm14 =	vgt.f32 v52, v35;
	vm15 =	vgt.f32 v62, v60  }
0xdd: {  	s0 =	sadd.s32 $0x100, s29;
	[tilespmem:s25+$0x50] =	vst v25;
	v35 =	vsel vm14, v52, v35;
	v31 =	vsel vm0, v36, v31;
	v49 =	vsel vm15, v62, v60  }
0xde: {  	[tilespmem:s0+$0xFFFFFF90] =	vst v25;
	v32 =	vsel vm1, v32, v42;
	v53 =	vsel vm15, $0xD, v23;
	v57 =	vsel vm1, $0xB, v22  }
0xdf: {  	[tilespmem:s0+$0x70] =	vst v25;
	v58 =	vsel vm0, $0x1, v16;
	v59 =	vsel vm14, $0x3, v17;
	vm10 =	vgt.f32 v63, v61  }
0xe0: {  	[tilespmem:s0+$0xFFFFFFE0] =	vst v25;
	vm9 =	vgt.f32 v35, v31;
	vm12 =	vgt.f32 v32, v45;
	v50 =	vsel vm10, v63, v61  }
0xe1: {  	[tilespmem:s0+$0xFFFFFF80] =	vst v25;
	v31 =	vsel vm9, v35, v31;
	v32 =	vsel vm12, v32, v45;
	vm11 =	vgt.f32 v50, v49  }
0xe2: {  	[tilespmem:s0+$0xFFFFFFD0] =	vst v25;
	v41 =	vsel vm9, v59, v58;
	v37 =	vsel vm12, v57, v47;
	v54 =	vsel vm11, v50, v49  }
0xe3: {  	[tilespmem:s0+$0xFFFFFFB0] =	vst v25;
	vm13 =	vgt.f32 v39, v31;
	v52 =	vsel vm10, $0xF, v24;
	vm14 =	vgt.f32 v54, v32  }
0xe4: {  	[tilespmem:s0+$0xFFFFFFA0] =	vst v25;
	v31 =	vsel vm13, v39, v31;
	v55 =	vsel vm11, v52, v53;
	v32 =	vsel vm14, v54, v32  }
0xe5: {  	[tilespmem:s0+$0xFFFFFFC0] =	vst v25;
	v29 =	vsel vm13, v29, v41;
	v60 =	vsel vm14, v55, v37;
	vm15 =	vgt.f32 v32, v31  }
0xe6: {  	[tilespmem:s0+$0x60] =	vst v25;
	v62 =	vand.u32 $0x3F80, v56;
	v61 =	vor.u32 v34, v51;
	v29 =	vsel vm15, v60, v29  }
0xe7: {  	[tilespmem:s0+$0xFFFFFFF0] =	vst v25;
	v31 =	vadd.s32 $0x400, v61;
	v32 =	vor.u32 v29, v62  }
0xe8: {  	[tilespmem:s0+$0x0] =	vst v25;
	v31 =	vor.u32 v21, v31;
	v32 =	vadd.s32 $0x400, v32  }
0xe9: {  	[tilespmem:s0+$0x10] =	vst v25;
	v32 =	vor.u32 v21, v32  }
0xea: {  	[tilespmem:s0+$0x20] =	vst v25  }
0xeb: {  	[tilespmem:s0+$0x30] =	vst v25  }
0xec: {  	v33 =	vld.idx.msk [tilespmem:v33+s15+$0x0], $0xffff;
	[tilespmem:s0+$0x40] =	vst v25  }
0xed: {  	[tilespmem:s0+$0x50] =	vst v25;
	v63 =	vor.u32 v30, v34;
	v31 =	vld.idx.msk [tilespmem:v31+s15+$0x0], $0xffff  }
0xee: {  	v29 =	vor.u32 v56, v29;
	v32 =	vld.idx.msk [tilespmem:v32+s15+$0x0], $0xffff  }
0xef: {  	p0 =	seq.s32 s23, $0x3  }
.Ltmp7:
0xf0: {  	_ = 	snop;
	(pc) =	sbr.rel @p0 .LBB2_12-.Ltmp7, $4  }
0xf1: {  	[tilespmem:v28+s20+$0x0] =	vst.idx.msk $0xffff, v33  }
0xf2: {  	[tilespmem:v63+s20+$0x0] =	vst.idx.msk $0xffff, v31  }
0xf3: {  	s31 =	sadd.s32 s24, s11;
	[tilespmem:v29+s20+$0x0] =	vst.idx.msk $0xffff, v32  }
0xf4: {  	[hbm4b:s31+s13] =	stream.strided.scatter [tilespmem:s20], [sflag:$0x4], $0x4000, s14, s13, $0x38;
	[tilespmem:$0x10800] =	vst v63  }
0xf5: {  	s0 =	sadd.s32 s23, s10  }
.Ltmp8:
0xf6: {  	s24 =	sshll.u32 s0, $0xC;
	s0 =	sshll.u32 s0, $0x4;
	(pc) =	sbr.rel .LBB2_2-.Ltmp8, $4  }
0xf7: {  	s24 =	sand.u32 $0xF8000, s24;
	s0 =	sand.u32 $0x70, s0  }
0xf8: {  	s0 =	sor.u32 s0, s24  }
0xf9: {  	s23 =	sadd.s32 $0x1, s23;
	s0 =	sadd.s32 s0, s7  }
0xfa: {  	[tilespmem:s15], [sflag:$0x2] =	stream.strided.gather [hbm4b:s0+s13], $0x4400, s14, s13, $0x38;
	[tilespmem:$0x10800] =	vst v63  }
.LBB2_13:
0xfb: {  	_ =	sfence.sel $0x180000  }
0xfc: {  	[bflag:$0x0] =	sbarrier.arrive $0xFFFF  }
0xfd: {  	_ =	strace $0x90000047  }
0xfe: {  	[bflag:$0x2] =	sbarrier.arrive $0xFFFF  }
0xff: {  	p0 =	sne.s32 s3, $0x0;
	s0 =	rddreg [dreg:$0x2]  }
0x100: {  	s0 =	sadd.s32 @!p0 $0x100000, s0  }
0x101: {  	[sflag:s0] =	ssyncadd.tile.s32 @!p0 $0x1;
	_ =	shalt  }
.Lfunc_end2:
_tile_overlayer_lowered:
.L_overlay_start_2:
0x102: {  	(tag) =	ssettag $0x2  }
0x103: {  	s0 =	rddreg [dreg:$0x0];
	s2 =	stileid.u32  }
0x104: {  	s1 =	rddreg [dreg:$0x1];
	p0 =	sne.s32 s2, $0x0  }
0x105: {  	s3 =	rddreg [dreg:$0x2];
	[bflag:$0x3] =	sbarrier.arrive $0xFFFF;
	s2 =	simm.s32 @!p0 $0x1C05  }
0x106: {  	[timem:s3], [sflag:s2] =	dma.local @!p0 [hbm:s0], s1  }
0x107: {  	s0 =	simm.s32 @!p0 $0x5  }
0x108: {  	_ =	swait.ge @!p0 [sflag:s0], s1  }
0x109: {  	s1 =	ssub.s32 @!p0 $0x0, s1;
	[sflag:s0] =	ssyncset.done @!p0 $0x0  }
0x10a: {  	[sflag:s0] =	ssyncadd.s32 @!p0 s1  }
0x10b: {  	[bflag:$0x3] =	sbarrier.arrive $0xFFFF  }
0x10c: {  	_ =	shalt  }

</sc_bundles>
